<compile_context>
chip_gen: v7x
topology: tpu7x:2x2x1
jax: 0.10.2.dev20260603
libtpu: 0.0.44.dev20260713+nightly
codegen_flags: <defaults>
</compile_context>

<pallas_src>
import functools

import jax
import jax.numpy as jnp
from jax import lax
from jax.experimental import pallas as pl
from jax.experimental.pallas import tpu as pltpu
from jax.experimental.pallas import tpu_sc as plsc

_N_ROWS = 4096
_N_COLS = 20000
_N_SEL = 2000
_NC = 2
_NS = 16
_L = 16
_NW = _NC * _NS
_MASK_VREGS = _N_COLS // _L
_VPW = -(-_MASK_VREGS // _NS)
_MASK_W = _VPW * _L
_IDX_PAD = 2048
_K = 8
_NCHUNK = 8


def _body(xt_hbm, mask_hbm, out_hbm,
          mask_v, idx_v, accv, cnt_tab, win2_v, win_v, buf0, buf1, buf2,
          counts_sh, idx_sh, sem0, sem1, sem2, sem3, sem4, sem5):
    cid = lax.axis_index("c")
    sid = lax.axis_index("s")
    wid = sid * _NC + cid

    dma_off = jnp.minimum(sid * _MASK_W, _N_COLS - _MASK_W)
    pltpu.sync_copy(mask_hbm.at[pl.ds(dma_off, _MASK_W)], mask_v)

    def init_body(j, carry):
        idx_v[pl.ds(j * _L, _L)] = jnp.zeros((_L,), jnp.int32)
        return carry

    lax.fori_loop(0, _IDX_PAD // _L, init_body, jnp.int32(0), unroll=False)

    gstart = sid * _VPW
    trip = jnp.minimum(_MASK_VREGS - gstart, _VPW)
    lbase_w = gstart * _L - dma_off

    def pass_a(t, acc):
        mv = mask_v[pl.ds(lbase_w + t * _L, _L)]
        return acc + (mv != 0.0).astype(jnp.int32)

    acc = lax.fori_loop(0, trip, pass_a, jnp.zeros((_L,), jnp.int32),
                        unroll=False)
    accv[...] = acc
    pltpu.sync_copy(accv, counts_sh.at[sid])
    plsc.subcore_barrier()

    pltpu.sync_copy(counts_sh, cnt_tab)
    acc2 = jnp.zeros((_L,), jnp.int32)
    for r in range(_NS):
        acc2 = acc2 + cnt_tab[r, :] * (r < sid).astype(jnp.int32)
    base = jnp.sum(acc2)

    def pass_b(t, off):
        mv = mask_v[pl.ds(lbase_w + t * _L, _L)]
        m = mv != 0.0
        mi = m.astype(jnp.int32)
        c = plsc.cumsum(mi)
        pos = off + c - 1
        vals = lax.iota(jnp.int32, _L) + (gstart + t) * _L
        safe = m & (pos < _N_SEL)
        plsc.store_scatter(idx_v, [pos], vals, mask=safe)
        return off + jnp.sum(mi)

    lax.fori_loop(0, trip, pass_b, base, unroll=False)
    pltpu.sync_copy(idx_v, idx_sh.at[sid])
    plsc.subcore_barrier()

    _WIN = _IDX_PAD // _NW
    wbase = wid * _WIN
    pltpu.sync_copy(idx_sh.at[:, pl.ds((wid // 2) * (2 * _WIN), 2 * _WIN)],
                    win2_v)
    for o in range(2 * _WIN // _L):
        s = jnp.zeros((_L,), jnp.int32)
        for r in range(_NS):
            s = s + win2_v[r, pl.ds(o * _L, _L)]
        win_v[pl.ds(o * _L, _L)] = s
    woff = (wid % 2) * _WIN

    cap = _N_SEL - _K - wbase
    starts_l = [jnp.minimum(_K * c, cap) for c in range(_NCHUNK)]
    bufs = [buf0, buf1, buf2]
    gsems = [sem0, sem1, sem2]
    ssems = [sem3, sem4, sem5]

    def gather_start(c):
        return pltpu.async_copy(
            xt_hbm.at[win_v.at[pl.ds(woff + starts_l[c], _K)]],
            bufs[c % 3], gsems[c % 3]
        )

    def scatter_start(c):
        return pltpu.async_copy(
            bufs[c % 3], out_hbm.at[pl.ds(wbase + starts_l[c], _K), :],
            ssems[c % 3]
        )

    gcp = [None] * _NCHUNK
    scp = [None] * _NCHUNK
    gcp[0] = gather_start(0)
    gcp[1] = gather_start(1)
    for c in range(_NCHUNK):
        gcp[c].wait()
        if c + 2 < _NCHUNK:
            if c >= 1:
                scp[c - 1].wait()
            gcp[c + 2] = gather_start(c + 2)
        scp[c] = scatter_start(c)
    for c in range(_NCHUNK - 3, _NCHUNK):
        scp[c].wait()


@functools.partial(
    pl.kernel,
    out_type=jax.ShapeDtypeStruct((_N_SEL, _N_ROWS), jnp.float32),
    mesh=plsc.VectorSubcoreMesh(core_axis_name="c", subcore_axis_name="s"),
    compiler_params=pltpu.CompilerParams(needs_layout_passes=False),
    scratch_types=[
        pltpu.VMEM((_MASK_W,), jnp.float32),
        pltpu.VMEM((_IDX_PAD,), jnp.int32),
        pltpu.VMEM((_L,), jnp.int32),
        pltpu.VMEM((_NS, _L), jnp.int32),
        pltpu.VMEM((_NS, 2 * _IDX_PAD // _NW), jnp.int32),
        pltpu.VMEM((2 * _IDX_PAD // _NW,), jnp.int32),
        pltpu.VMEM((_K, _N_ROWS), jnp.float32),
        pltpu.VMEM((_K, _N_ROWS), jnp.float32),
        pltpu.VMEM((_K, _N_ROWS), jnp.float32),
        pltpu.VMEM_SHARED((_NS, _L), jnp.int32),
        pltpu.VMEM_SHARED((_NS, _IDX_PAD), jnp.int32),
        pltpu.SemaphoreType.DMA,
        pltpu.SemaphoreType.DMA,
        pltpu.SemaphoreType.DMA,
        pltpu.SemaphoreType.DMA,
        pltpu.SemaphoreType.DMA,
        pltpu.SemaphoreType.DMA,
    ],
)
def _gather_rows_t(xt_hbm, mask_hbm, out_hbm,
                   mask_v, idx_v, accv, cnt_tab, win2_v, win_v, buf0, buf1, buf2,
                   counts_sh, idx_sh, sem0, sem1, sem2, sem3, sem4, sem5):
    _body(xt_hbm, mask_hbm, out_hbm,
          mask_v, idx_v, accv, cnt_tab, win2_v, win_v, buf0, buf1, buf2,
          counts_sh, idx_sh, sem0, sem1, sem2, sem3, sem4, sem5)


def kernel(x, selection_mask):
    xt = jnp.transpose(x)
    out_t = _gather_rows_t(xt, selection_mask)
    return jnp.transpose(out_t)

# --- scband reference (transcript-rebuilt; emitter-appended) ---
"""Pipeline reference for scband-log-fcbased-feature-selection-74088185856769 (READ-ONLY COPY).

The authoritative reference and input builder live on the scoring server;
editing this copy changes nothing except your own understanding.
"""

import jax, jax.numpy as jnp
import numpy as np

N_GENES = 20000
N_SELECTED = 2000

def setup_inputs(seed: int = 0) -> dict:
    key = jax.random.key(seed)
    k1, _ = jax.random.split(key)
    x = jax.random.normal(k1, (4096, N_GENES), dtype=jnp.float32)
    # buffer: selection_mask with exactly n_selected ones (as set via set_selected_indices)
    sel_idx = jnp.arange(0, N_GENES, N_GENES // N_SELECTED)  # 2000 evenly spaced gene indices
    selection_mask = jnp.zeros((N_GENES,), dtype=jnp.float32).at[sel_idx].set(1.0)
    return {"x": x, "selection_mask": selection_mask}

def reference(x, selection_mask):
    # torch.nonzero(mask).squeeze(-1) -> indices of selected genes
    selected_indices = jnp.nonzero(selection_mask, size=N_SELECTED)[0]
    # torch.index_select(x, 1, selected_indices)
    return jnp.take(x, selected_indices, axis=1)

if __name__ == "__main__":
    import jax
    _d = setup_inputs()
    print(jax.jit(kernel)(*tuple(_d.values())))

</pallas_src>

<mosaic_0001>
#map = affine_map<(d0, d1) -> (0, 0)>
#map1 = affine_map<(d0, d1) -> (0)>
module attributes {stable_mosaic.version = 14 : i64} {
  func.func @_gather_rows_t(%arg0: i32, %arg1: i32, %arg2: memref<20000x4096xf32, #tpu.memory_space<hbm>>, %arg3: memref<20000xf32, #tpu.memory_space<hbm>>, %arg4: memref<2000x4096xf32, #tpu.memory_space<hbm>>, %arg5: memref<1264xf32, #tpu.memory_space<vmem>>, %arg6: memref<2048xi32, #tpu.memory_space<vmem>>, %arg7: memref<16xi32, #tpu.memory_space<vmem>>, %arg8: memref<16x16xi32, #tpu.memory_space<vmem>>, %arg9: memref<16x128xi32, #tpu.memory_space<vmem>>, %arg10: memref<128xi32, #tpu.memory_space<vmem>>, %arg11: memref<8x4096xf32, #tpu.memory_space<vmem>>, %arg12: memref<8x4096xf32, #tpu.memory_space<vmem>>, %arg13: memref<8x4096xf32, #tpu.memory_space<vmem>>, %arg14: memref<16x16xi32, #tpu.memory_space<vmem_shared>>, %arg15: memref<16x2048xi32, #tpu.memory_space<vmem_shared>>, %arg16: memref<!tpu.dma_semaphore, #tpu.memory_space<semaphore_mem>>, %arg17: memref<!tpu.dma_semaphore, #tpu.memory_space<semaphore_mem>>, %arg18: memref<!tpu.dma_semaphore, #tpu.memory_space<semaphore_mem>>, %arg19: memref<!tpu.dma_semaphore, #tpu.memory_space<semaphore_mem>>, %arg20: memref<!tpu.dma_semaphore, #tpu.memory_space<semaphore_mem>>, %arg21: memref<!tpu.dma_semaphore, #tpu.memory_space<semaphore_mem>>) attributes {dimension_semantics = [#tpu.dimension_semantics<core_parallel>, #tpu.dimension_semantics<subcore_parallel>], iteration_bounds = array<i64: 2, 16>, scalar_prefetch = 0 : i64, scratch_operands = 17 : i64, tpu.core_type = #tpu.core_type<sc_vector_subcore>, window_params = [{transform_indices = #map}, {transform_indices = #map1}, {transform_indices = #map}]} {
    %mul3A = arith.constant 2 : i32
    %mul3A_0 = arith.muli %arg1, %mul3A : i32
    %add3A = arith.addi %mul3A_0, %arg0 : i32
    %mul3A_1 = arith.constant 1264 : i32
    %mul3A_2 = arith.muli %arg1, %mul3A_1 : i32
    %min3A = arith.constant 18736 : i32
    %min3A_3 = arith.minsi %mul3A_2, %min3A : i32
    "tpu.region"() ({
      %run_scoped3A = tpu.sem_alloc : memref<!tpu.dma_semaphore, #tpu.memory_space<semaphore_mem>>
      %dma_start3A_1072 = tpu.memref_slice %arg3[%min3A_3] : memref<20000xf32, #tpu.memory_space<hbm>> -> memref<1264xf32, #tpu.memory_space<hbm>>
      %dma_start3A_1073 = tpu.memref_slice %arg3[%min3A_3] : memref<20000xf32, #tpu.memory_space<hbm>> -> memref<1264xf32, #tpu.memory_space<hbm>>
      tpu.enqueue_dma source(%dma_start3A_1073 : memref<1264xf32, #tpu.memory_space<hbm>>) target(%arg5 : memref<1264xf32, #tpu.memory_space<vmem>>) target_semaphore(%run_scoped3A : memref<!tpu.dma_semaphore, #tpu.memory_space<semaphore_mem>>)
      %dma_wait3A_1074 = tpu.memref_slice %arg3[%min3A_3] : memref<20000xf32, #tpu.memory_space<hbm>> -> memref<1264xf32, #tpu.memory_space<hbm>>
      %dma_wait3A_1075 = tpu.memref_slice %arg3[%min3A_3] : memref<20000xf32, #tpu.memory_space<hbm>> -> memref<1264xf32, #tpu.memory_space<hbm>>
      tpu.wait_dma2 semaphore(%run_scoped3A : memref<!tpu.dma_semaphore, #tpu.memory_space<semaphore_mem>>) src(%dma_wait3A_1075 : memref<1264xf32, #tpu.memory_space<hbm>>) dst(%arg5 : memref<1264xf32, #tpu.memory_space<vmem>>)
      tpu.yield
    }) : () -> ()
    %scan3A = arith.constant 0 : i32
    %scan3A_4 = arith.constant 0 : i32
    %scan3A_5 = arith.constant 128 : i32
    %scan3A_6 = arith.addi %scan3A_4, %scan3A_5 : i32
    %scan3A_7 = arith.constant 1 : i32
    scf.for %scan3A_1072 = %scan3A_4 to %scan3A_6 step %scan3A_7  : i32 {
      %broadcast_in_dim3A_1073 = arith.constant 0 : i32
      %broadcast_in_dim3A_1074 = vector.broadcast %broadcast_in_dim3A_1073 : i32 to vector<16xi32>
      %mul3A_1075 = arith.constant 16 : i32
      %mul3A_1076 = arith.muli %scan3A_1072, %mul3A_1075 : i32
      %swap3A_1077 = arith.index_cast %mul3A_1076 : i32 to index
      %swap3A_1078 = tpu.vector_load %arg6[%swap3A_1077] {strides = array<i32>} : memref<2048xi32, #tpu.memory_space<vmem>>, vector<16xi32>,
      tpu.vector_store %arg6[%swap3A_1077], %broadcast_in_dim3A_1074 {strides = array<i32>} : memref<2048xi32, #tpu.memory_space<vmem>>, vector<16xi32>,
    }
    %scan3A_8 = arith.constant 128 : i32
    %mul3A_9 = arith.constant 79 : i32
    %mul3A_10 = arith.muli %arg1, %mul3A_9 : i32
    %sub3A = arith.constant 1250 : i32
    %sub3A_11 = arith.subi %sub3A, %mul3A_10 : i32
    %min3A_12 = arith.constant 79 : i32
    %min3A_13 = arith.minsi %sub3A_11, %min3A_12 : i32
    %mul3A_14 = arith.constant 16 : i32
    %mul3A_15 = arith.muli %mul3A_10, %mul3A_14 : i32
    %sub3A_16 = arith.subi %mul3A_15, %min3A_3 : i32
    %broadcast_in_dim3A = arith.constant 0 : i32
    %broadcast_in_dim3A_17 = vector.broadcast %broadcast_in_dim3A : i32 to vector<16xi32>
    %while3A = arith.constant 0 : i32
    %while3A_18 = arith.subi %min3A_13, %while3A : i32
    %while3A_19 = arith.addi %while3A, %while3A_18 : i32
    %while3A_20 = arith.constant 1 : i32
    %while3A_21 = arith.divsi %while3A_18, %while3A_20 : i32
    %while3A_22 = arith.muli %while3A_21, %while3A_20 : i32
    %while3A_23 = arith.addi %while3A, %while3A_22 : i32
    %while3A_24 = arith.constant 1 : i32
    %while3A_25 = scf.for %while3A_1072 = %while3A to %while3A_23 step %while3A_24 iter_args(%while3A_1073 = %broadcast_in_dim3A_17) -> (vector<16xi32>)  : i32 {
      %mul3A_1074 = arith.constant 16 : i32
      %mul3A_1075 = arith.muli %while3A_1072, %mul3A_1074 : i32
      %add3A_1076 = arith.addi %sub3A_16, %mul3A_1075 : i32
      %get3A_1077 = arith.index_cast %add3A_1076 : i32 to index
      %get3A_1078 = tpu.vector_load %arg5[%get3A_1077] {strides = array<i32>} : memref<1264xf32, #tpu.memory_space<vmem>>, vector<16xf32>,
      %ne3A_1079 = arith.constant 0.000000e+00 : f32
      %ne3A_1080 = vector.broadcast %ne3A_1079 : f32 to vector<16xf32>
      %ne3A_1081 = arith.cmpf one, %get3A_1078, %ne3A_1080 : vector<16xf32>
      %convert_element_type3A_1082 = arith.extui %ne3A_1081 : vector<16xi1> to vector<16xi32>
      %add3A_1083 = arith.addi %while3A_1073, %convert_element_type3A_1082 : vector<16xi32>
      scf.yield %add3A_1083 : vector<16xi32>
    }
    %while3A_26 = arith.constant 1 : i32
    %while3A_27 = scf.for %while3A_1072 = %while3A_23 to %while3A_19 step %while3A_26 iter_args(%while3A_1073 = %while3A_25) -> (vector<16xi32>)  : i32 {
      %mul3A_1074 = arith.constant 16 : i32
      %mul3A_1075 = arith.muli %while3A_1072, %mul3A_1074 : i32
      %add3A_1076 = arith.addi %sub3A_16, %mul3A_1075 : i32
      %get3A_1077 = arith.index_cast %add3A_1076 : i32 to index
      %get3A_1078 = tpu.vector_load %arg5[%get3A_1077] {strides = array<i32>} : memref<1264xf32, #tpu.memory_space<vmem>>, vector<16xf32>,
      %ne3A_1079 = arith.constant 0.000000e+00 : f32
      %ne3A_1080 = vector.broadcast %ne3A_1079 : f32 to vector<16xf32>
      %ne3A_1081 = arith.cmpf one, %get3A_1078, %ne3A_1080 : vector<16xf32>
      %convert_element_type3A_1082 = arith.extui %ne3A_1081 : vector<16xi1> to vector<16xi32>
      %add3A_1083 = arith.addi %while3A_1073, %convert_element_type3A_1082 : vector<16xi32>
      scf.yield %add3A_1083 : vector<16xi32>
    }
    %swap3A = arith.constant 0 : index
    %swap3A_28 = tpu.vector_load %arg7[%swap3A] {strides = array<i32>} : memref<16xi32, #tpu.memory_space<vmem>>, vector<16xi32>,
    tpu.vector_store %arg7[%swap3A], %while3A_27 {strides = array<i32>} : memref<16xi32, #tpu.memory_space<vmem>>, vector<16xi32>,
    "tpu.region"() ({
      %run_scoped3A = tpu.sem_alloc : memref<!tpu.dma_semaphore, #tpu.memory_space<semaphore_mem>>
      %dma_start3A_1072 = arith.constant 0 : i32
      %dma_start3A_1073 = tpu.memref_slice %arg14[%arg1, %dma_start3A_1072] : memref<16x16xi32, #tpu.memory_space<vmem_shared>> -> memref<1x16xi32, #tpu.memory_space<vmem_shared>>
      %dma_start3A_1074 = tpu.memref_squeeze %dma_start3A_1073 : memref<1x16xi32, #tpu.memory_space<vmem_shared>> -> memref<16xi32, #tpu.memory_space<vmem_shared>>
      %dma_start3A_1075 = arith.constant 0 : i32
      %dma_start3A_1076 = tpu.memref_slice %arg14[%arg1, %dma_start3A_1075] : memref<16x16xi32, #tpu.memory_space<vmem_shared>> -> memref<1x16xi32, #tpu.memory_space<vmem_shared>>
      %dma_start3A_1077 = tpu.memref_squeeze %dma_start3A_1076 : memref<1x16xi32, #tpu.memory_space<vmem_shared>> -> memref<16xi32, #tpu.memory_space<vmem_shared>>
      tpu.enqueue_dma source(%arg7 : memref<16xi32, #tpu.memory_space<vmem>>) target(%dma_start3A_1077 : memref<16xi32, #tpu.memory_space<vmem_shared>>) target_semaphore(%run_scoped3A : memref<!tpu.dma_semaphore, #tpu.memory_space<semaphore_mem>>)
      %dma_wait3A_1078 = arith.constant 0 : i32
      %dma_wait3A_1079 = tpu.memref_slice %arg14[%arg1, %dma_wait3A_1078] : memref<16x16xi32, #tpu.memory_space<vmem_shared>> -> memref<1x16xi32, #tpu.memory_space<vmem_shared>>
      %dma_wait3A_1080 = tpu.memref_squeeze %dma_wait3A_1079 : memref<1x16xi32, #tpu.memory_space<vmem_shared>> -> memref<16xi32, #tpu.memory_space<vmem_shared>>
      %dma_wait3A_1081 = arith.constant 0 : i32
      %dma_wait3A_1082 = tpu.memref_slice %arg14[%arg1, %dma_wait3A_1081] : memref<16x16xi32, #tpu.memory_space<vmem_shared>> -> memref<1x16xi32, #tpu.memory_space<vmem_shared>>
      %dma_wait3A_1083 = tpu.memref_squeeze %dma_wait3A_1082 : memref<1x16xi32, #tpu.memory_space<vmem_shared>> -> memref<16xi32, #tpu.memory_space<vmem_shared>>
      tpu.wait_dma2 semaphore(%run_scoped3A : memref<!tpu.dma_semaphore, #tpu.memory_space<semaphore_mem>>) src(%arg7 : memref<16xi32, #tpu.memory_space<vmem>>) dst(%dma_wait3A_1083 : memref<16xi32, #tpu.memory_space<vmem_shared>>)
      tpu.yield
    }) : () -> ()
    %barrier3A = arith.constant 0 : index
    tpu.barrier barrier_id(%barrier3A)
    "tpu.region"() ({
      %run_scoped3A = tpu.sem_alloc : memref<!tpu.dma_semaphore, #tpu.memory_space<semaphore_mem>>
      tpu.enqueue_dma source(%arg14 : memref<16x16xi32, #tpu.memory_space<vmem_shared>>) target(%arg8 : memref<16x16xi32, #tpu.memory_space<vmem>>) target_semaphore(%run_scoped3A : memref<!tpu.dma_semaphore, #tpu.memory_space<semaphore_mem>>)
      tpu.wait_dma2 semaphore(%run_scoped3A : memref<!tpu.dma_semaphore, #tpu.memory_space<semaphore_mem>>) src(%arg14 : memref<16x16xi32, #tpu.memory_space<vmem_shared>>) dst(%arg8 : memref<16x16xi32, #tpu.memory_space<vmem>>)
      tpu.yield
    }) : () -> ()
    %broadcast_in_dim3A_29 = arith.constant 0 : i32
    %broadcast_in_dim3A_30 = vector.broadcast %broadcast_in_dim3A_29 : i32 to vector<16xi32>
    %get3A = arith.constant 0 : i32
    %get3A_31 = arith.index_cast %get3A : i32 to index
    %get3A_32 = arith.constant 0 : index
    %get3A_33 = tpu.vector_load %arg8[%get3A_31, %get3A_32] {strides = array<i32>} : memref<16x16xi32, #tpu.memory_space<vmem>>, vector<16xi32>,
    %gt3A = arith.constant 0 : i32
    %gt3A_34 = arith.cmpi sgt, %arg1, %gt3A : i32
    %convert_element_type3A = arith.extui %gt3A_34 : i1 to i32
    %mul3A_35 = vector.broadcast %convert_element_type3A : i32 to vector<16xi32>
    %mul3A_36 = arith.muli %get3A_33, %mul3A_35 : vector<16xi32>
    %add3A_37 = arith.addi %broadcast_in_dim3A_30, %mul3A_36 : vector<16xi32>
    %get3A_38 = arith.constant 1 : i32
    %get3A_39 = arith.index_cast %get3A_38 : i32 to index
    %get3A_40 = arith.constant 0 : index
    %get3A_41 = tpu.vector_load %arg8[%get3A_39, %get3A_40] {strides = array<i32>} : memref<16x16xi32, #tpu.memory_space<vmem>>, vector<16xi32>,
    %gt3A_42 = arith.constant 1 : i32
    %gt3A_43 = arith.cmpi sgt, %arg1, %gt3A_42 : i32
    %convert_element_type3A_44 = arith.extui %gt3A_43 : i1 to i32
    %mul3A_45 = vector.broadcast %convert_element_type3A_44 : i32 to vector<16xi32>
    %mul3A_46 = arith.muli %get3A_41, %mul3A_45 : vector<16xi32>
    %add3A_47 = arith.addi %add3A_37, %mul3A_46 : vector<16xi32>
    %get3A_48 = arith.constant 2 : i32
    %get3A_49 = arith.index_cast %get3A_48 : i32 to index
    %get3A_50 = arith.constant 0 : index
    %get3A_51 = tpu.vector_load %arg8[%get3A_49, %get3A_50] {strides = array<i32>} : memref<16x16xi32, #tpu.memory_space<vmem>>, vector<16xi32>,
    %gt3A_52 = arith.constant 2 : i32
    %gt3A_53 = arith.cmpi sgt, %arg1, %gt3A_52 : i32
    %convert_element_type3A_54 = arith.extui %gt3A_53 : i1 to i32
    %mul3A_55 = vector.broadcast %convert_element_type3A_54 : i32 to vector<16xi32>
    %mul3A_56 = arith.muli %get3A_51, %mul3A_55 : vector<16xi32>
    %add3A_57 = arith.addi %add3A_47, %mul3A_56 : vector<16xi32>
    %get3A_58 = arith.constant 3 : i32
    %get3A_59 = arith.index_cast %get3A_58 : i32 to index
    %get3A_60 = arith.constant 0 : index
    %get3A_61 = tpu.vector_load %arg8[%get3A_59, %get3A_60] {strides = array<i32>} : memref<16x16xi32, #tpu.memory_space<vmem>>, vector<16xi32>,
    %gt3A_62 = arith.constant 3 : i32
    %gt3A_63 = arith.cmpi sgt, %arg1, %gt3A_62 : i32
    %convert_element_type3A_64 = arith.extui %gt3A_63 : i1 to i32
    %mul3A_65 = vector.broadcast %convert_element_type3A_64 : i32 to vector<16xi32>
    %mul3A_66 = arith.muli %get3A_61, %mul3A_65 : vector<16xi32>
    %add3A_67 = arith.addi %add3A_57, %mul3A_66 : vector<16xi32>
    %get3A_68 = arith.constant 4 : i32
    %get3A_69 = arith.index_cast %get3A_68 : i32 to index
    %get3A_70 = arith.constant 0 : index
    %get3A_71 = tpu.vector_load %arg8[%get3A_69, %get3A_70] {strides = array<i32>} : memref<16x16xi32, #tpu.memory_space<vmem>>, vector<16xi32>,
    %gt3A_72 = arith.constant 4 : i32
    %gt3A_73 = arith.cmpi sgt, %arg1, %gt3A_72 : i32
    %convert_element_type3A_74 = arith.extui %gt3A_73 : i1 to i32
    %mul3A_75 = vector.broadcast %convert_element_type3A_74 : i32 to vector<16xi32>
    %mul3A_76 = arith.muli %get3A_71, %mul3A_75 : vector<16xi32>
    %add3A_77 = arith.addi %add3A_67, %mul3A_76 : vector<16xi32>
    %get3A_78 = arith.constant 5 : i32
    %get3A_79 = arith.index_cast %get3A_78 : i32 to index
    %get3A_80 = arith.constant 0 : index
    %get3A_81 = tpu.vector_load %arg8[%get3A_79, %get3A_80] {strides = array<i32>} : memref<16x16xi32, #tpu.memory_space<vmem>>, vector<16xi32>,
    %gt3A_82 = arith.constant 5 : i32
    %gt3A_83 = arith.cmpi sgt, %arg1, %gt3A_82 : i32
    %convert_element_type3A_84 = arith.extui %gt3A_83 : i1 to i32
    %mul3A_85 = vector.broadcast %convert_element_type3A_84 : i32 to vector<16xi32>
    %mul3A_86 = arith.muli %get3A_81, %mul3A_85 : vector<16xi32>
    %add3A_87 = arith.addi %add3A_77, %mul3A_86 : vector<16xi32>
    %get3A_88 = arith.constant 6 : i32
    %get3A_89 = arith.index_cast %get3A_88 : i32 to index
    %get3A_90 = arith.constant 0 : index
    %get3A_91 = tpu.vector_load %arg8[%get3A_89, %get3A_90] {strides = array<i32>} : memref<16x16xi32, #tpu.memory_space<vmem>>, vector<16xi32>,
    %gt3A_92 = arith.constant 6 : i32
    %gt3A_93 = arith.cmpi sgt, %arg1, %gt3A_92 : i32
    %convert_element_type3A_94 = arith.extui %gt3A_93 : i1 to i32
    %mul3A_95 = vector.broadcast %convert_element_type3A_94 : i32 to vector<16xi32>
    %mul3A_96 = arith.muli %get3A_91, %mul3A_95 : vector<16xi32>
    %add3A_97 = arith.addi %add3A_87, %mul3A_96 : vector<16xi32>
    %get3A_98 = arith.constant 7 : i32
    %get3A_99 = arith.index_cast %get3A_98 : i32 to index
    %get3A_100 = arith.constant 0 : index
    %get3A_101 = tpu.vector_load %arg8[%get3A_99, %get3A_100] {strides = array<i32>} : memref<16x16xi32, #tpu.memory_space<vmem>>, vector<16xi32>,
    %gt3A_102 = arith.constant 7 : i32
    %gt3A_103 = arith.cmpi sgt, %arg1, %gt3A_102 : i32
    %convert_element_type3A_104 = arith.extui %gt3A_103 : i1 to i32
    %mul3A_105 = vector.broadcast %convert_element_type3A_104 : i32 to vector<16xi32>
    %mul3A_106 = arith.muli %get3A_101, %mul3A_105 : vector<16xi32>
    %add3A_107 = arith.addi %add3A_97, %mul3A_106 : vector<16xi32>
    %get3A_108 = arith.constant 8 : i32
    %get3A_109 = arith.index_cast %get3A_108 : i32 to index
    %get3A_110 = arith.constant 0 : index
    %get3A_111 = tpu.vector_load %arg8[%get3A_109, %get3A_110] {strides = array<i32>} : memref<16x16xi32, #tpu.memory_space<vmem>>, vector<16xi32>,
    %gt3A_112 = arith.constant 8 : i32
    %gt3A_113 = arith.cmpi sgt, %arg1, %gt3A_112 : i32
    %convert_element_type3A_114 = arith.extui %gt3A_113 : i1 to i32
    %mul3A_115 = vector.broadcast %convert_element_type3A_114 : i32 to vector<16xi32>
    %mul3A_116 = arith.muli %get3A_111, %mul3A_115 : vector<16xi32>
    %add3A_117 = arith.addi %add3A_107, %mul3A_116 : vector<16xi32>
    %get3A_118 = arith.constant 9 : i32
    %get3A_119 = arith.index_cast %get3A_118 : i32 to index
    %get3A_120 = arith.constant 0 : index
    %get3A_121 = tpu.vector_load %arg8[%get3A_119, %get3A_120] {strides = array<i32>} : memref<16x16xi32, #tpu.memory_space<vmem>>, vector<16xi32>,
    %gt3A_122 = arith.constant 9 : i32
    %gt3A_123 = arith.cmpi sgt, %arg1, %gt3A_122 : i32
    %convert_element_type3A_124 = arith.extui %gt3A_123 : i1 to i32
    %mul3A_125 = vector.broadcast %convert_element_type3A_124 : i32 to vector<16xi32>
    %mul3A_126 = arith.muli %get3A_121, %mul3A_125 : vector<16xi32>
    %add3A_127 = arith.addi %add3A_117, %mul3A_126 : vector<16xi32>
    %get3A_128 = arith.constant 10 : i32
    %get3A_129 = arith.index_cast %get3A_128 : i32 to index
    %get3A_130 = arith.constant 0 : index
    %get3A_131 = tpu.vector_load %arg8[%get3A_129, %get3A_130] {strides = array<i32>} : memref<16x16xi32, #tpu.memory_space<vmem>>, vector<16xi32>,
    %gt3A_132 = arith.constant 10 : i32
    %gt3A_133 = arith.cmpi sgt, %arg1, %gt3A_132 : i32
    %convert_element_type3A_134 = arith.extui %gt3A_133 : i1 to i32
    %mul3A_135 = vector.broadcast %convert_element_type3A_134 : i32 to vector<16xi32>
    %mul3A_136 = arith.muli %get3A_131, %mul3A_135 : vector<16xi32>
    %add3A_137 = arith.addi %add3A_127, %mul3A_136 : vector<16xi32>
    %get3A_138 = arith.constant 11 : i32
    %get3A_139 = arith.index_cast %get3A_138 : i32 to index
    %get3A_140 = arith.constant 0 : index
    %get3A_141 = tpu.vector_load %arg8[%get3A_139, %get3A_140] {strides = array<i32>} : memref<16x16xi32, #tpu.memory_space<vmem>>, vector<16xi32>,
    %gt3A_142 = arith.constant 11 : i32
    %gt3A_143 = arith.cmpi sgt, %arg1, %gt3A_142 : i32
    %convert_element_type3A_144 = arith.extui %gt3A_143 : i1 to i32
    %mul3A_145 = vector.broadcast %convert_element_type3A_144 : i32 to vector<16xi32>
    %mul3A_146 = arith.muli %get3A_141, %mul3A_145 : vector<16xi32>
    %add3A_147 = arith.addi %add3A_137, %mul3A_146 : vector<16xi32>
    %get3A_148 = arith.constant 12 : i32
    %get3A_149 = arith.index_cast %get3A_148 : i32 to index
    %get3A_150 = arith.constant 0 : index
    %get3A_151 = tpu.vector_load %arg8[%get3A_149, %get3A_150] {strides = array<i32>} : memref<16x16xi32, #tpu.memory_space<vmem>>, vector<16xi32>,
    %gt3A_152 = arith.constant 12 : i32
    %gt3A_153 = arith.cmpi sgt, %arg1, %gt3A_152 : i32
    %convert_element_type3A_154 = arith.extui %gt3A_153 : i1 to i32
    %mul3A_155 = vector.broadcast %convert_element_type3A_154 : i32 to vector<16xi32>
    %mul3A_156 = arith.muli %get3A_151, %mul3A_155 : vector<16xi32>
    %add3A_157 = arith.addi %add3A_147, %mul3A_156 : vector<16xi32>
    %get3A_158 = arith.constant 13 : i32
    %get3A_159 = arith.index_cast %get3A_158 : i32 to index
    %get3A_160 = arith.constant 0 : index
    %get3A_161 = tpu.vector_load %arg8[%get3A_159, %get3A_160] {strides = array<i32>} : memref<16x16xi32, #tpu.memory_space<vmem>>, vector<16xi32>,
    %gt3A_162 = arith.constant 13 : i32
    %gt3A_163 = arith.cmpi sgt, %arg1, %gt3A_162 : i32
    %convert_element_type3A_164 = arith.extui %gt3A_163 : i1 to i32
    %mul3A_165 = vector.broadcast %convert_element_type3A_164 : i32 to vector<16xi32>
    %mul3A_166 = arith.muli %get3A_161, %mul3A_165 : vector<16xi32>
    %add3A_167 = arith.addi %add3A_157, %mul3A_166 : vector<16xi32>
    %get3A_168 = arith.constant 14 : i32
    %get3A_169 = arith.index_cast %get3A_168 : i32 to index
    %get3A_170 = arith.constant 0 : index
    %get3A_171 = tpu.vector_load %arg8[%get3A_169, %get3A_170] {strides = array<i32>} : memref<16x16xi32, #tpu.memory_space<vmem>>, vector<16xi32>,
    %gt3A_172 = arith.constant 14 : i32
    %gt3A_173 = arith.cmpi sgt, %arg1, %gt3A_172 : i32
    %convert_element_type3A_174 = arith.extui %gt3A_173 : i1 to i32
    %mul3A_175 = vector.broadcast %convert_element_type3A_174 : i32 to vector<16xi32>
    %mul3A_176 = arith.muli %get3A_171, %mul3A_175 : vector<16xi32>
    %add3A_177 = arith.addi %add3A_167, %mul3A_176 : vector<16xi32>
    %get3A_178 = arith.constant 15 : i32
    %get3A_179 = arith.index_cast %get3A_178 : i32 to index
    %get3A_180 = arith.constant 0 : index
    %get3A_181 = tpu.vector_load %arg8[%get3A_179, %get3A_180] {strides = array<i32>} : memref<16x16xi32, #tpu.memory_space<vmem>>, vector<16xi32>,
    %gt3A_182 = arith.constant 15 : i32
    %gt3A_183 = arith.cmpi sgt, %arg1, %gt3A_182 : i32
    %convert_element_type3A_184 = arith.extui %gt3A_183 : i1 to i32
    %mul3A_185 = vector.broadcast %convert_element_type3A_184 : i32 to vector<16xi32>
    %mul3A_186 = arith.muli %get3A_181, %mul3A_185 : vector<16xi32>
    %add3A_187 = arith.addi %add3A_177, %mul3A_186 : vector<16xi32>
    %reduce_sum3A = arith.constant true
    %reduce_sum3A_188 = vector.broadcast %reduce_sum3A : i1 to vector<16xi1>
    %reduce_sum3A_189 = tpu.scan <sum>, %add3A_187 masked %reduce_sum3A_188 : vector<16xi32>, vector<16xi1> -> vector<16xi32>
    %reduce_sum3A_190 = vector.extract %reduce_sum3A_189[15] : i32 from vector<16xi32>
    %while3A_191 = arith.constant 0 : i32
    %while3A_192 = arith.subi %min3A_13, %while3A_191 : i32
    %while3A_193 = arith.addi %while3A_191, %while3A_192 : i32
    %while3A_194 = arith.constant 1 : i32
    %while3A_195 = arith.divsi %while3A_192, %while3A_194 : i32
    %while3A_196 = arith.muli %while3A_195, %while3A_194 : i32
    %while3A_197 = arith.addi %while3A_191, %while3A_196 : i32
    %while3A_198 = arith.constant 1 : i32
    %while3A_199 = scf.for %while3A_1072 = %while3A_191 to %while3A_197 step %while3A_198 iter_args(%while3A_1073 = %reduce_sum3A_190) -> (i32)  : i32 {
      %mul3A_1074 = arith.constant 16 : i32
      %mul3A_1075 = arith.muli %while3A_1072, %mul3A_1074 : i32
      %add3A_1076 = arith.addi %sub3A_16, %mul3A_1075 : i32
      %get3A_1077 = arith.index_cast %add3A_1076 : i32 to index
      %get3A_1078 = tpu.vector_load %arg5[%get3A_1077] {strides = array<i32>} : memref<1264xf32, #tpu.memory_space<vmem>>, vector<16xf32>,
      %ne3A_1079 = arith.constant 0.000000e+00 : f32
      %ne3A_1080 = vector.broadcast %ne3A_1079 : f32 to vector<16xf32>
      %ne3A_1081 = arith.cmpf one, %get3A_1078, %ne3A_1080 : vector<16xf32>
      %convert_element_type3A_1082 = arith.extui %ne3A_1081 : vector<16xi1> to vector<16xi32>
      %broadcast_in_dim3A_1083 = arith.constant true
      %broadcast_in_dim3A_1084 = vector.broadcast %broadcast_in_dim3A_1083 : i1 to vector<16xi1>
      %masked_cumsum3A = tpu.scan <sum>, %convert_element_type3A_1082 masked %broadcast_in_dim3A_1084 : vector<16xi32>, vector<16xi1> -> vector<16xi32>
      %add3A_1085 = vector.broadcast %while3A_1073 : i32 to vector<16xi32>
      %add3A_1086 = arith.addi %add3A_1085, %masked_cumsum3A : vector<16xi32>
      %sub3A_1087 = arith.constant 1 : i32
      %sub3A_1088 = vector.broadcast %sub3A_1087 : i32 to vector<16xi32>
      %sub3A_1089 = arith.subi %add3A_1086, %sub3A_1088 : vector<16xi32>
      %iota3A = tpu.iota {dimensions = array<i32: 0>} : vector<16xi32>
      %add3A_1090 = arith.addi %mul3A_10, %while3A_1072 : i32
      %mul3A_1091 = arith.constant 16 : i32
      %mul3A_1092 = arith.muli %add3A_1090, %mul3A_1091 : i32
      %add3A_1093 = vector.broadcast %mul3A_1092 : i32 to vector<16xi32>
      %add3A_1094 = arith.addi %iota3A, %add3A_1093 : vector<16xi32>
      %lt3A_1095 = arith.constant 2000 : i32
      %lt3A_1096 = vector.broadcast %lt3A_1095 : i32 to vector<16xi32>
      %lt3A_1097 = arith.cmpi slt, %sub3A_1089, %lt3A_1096 : vector<16xi32>
      %and3A_1098 = arith.andi %ne3A_1081, %lt3A_1097 : vector<16xi1>
      tpu.vector_store_idx %arg6[%sub3A_1089], %add3A_1094 masked %and3A_1098 : memref<2048xi32, #tpu.memory_space<vmem>>[vector<16xi32>], vector<16xi32>, vector<16xi1>
      %reduce_sum3A_1099 = arith.constant true
      %reduce_sum3A_1100 = vector.broadcast %reduce_sum3A_1099 : i1 to vector<16xi1>
      %reduce_sum3A_1101 = tpu.scan <sum>, %convert_element_type3A_1082 masked %reduce_sum3A_1100 : vector<16xi32>, vector<16xi1> -> vector<16xi32>
      %reduce_sum3A_1102 = vector.extract %reduce_sum3A_1101[15] : i32 from vector<16xi32>
      %add3A_1103 = arith.addi %while3A_1073, %reduce_sum3A_1102 : i32
      scf.yield %add3A_1103 : i32
    }
    %while3A_200 = arith.constant 1 : i32
    %while3A_201 = scf.for %while3A_1072 = %while3A_197 to %while3A_193 step %while3A_200 iter_args(%while3A_1073 = %while3A_199) -> (i32)  : i32 {
      %mul3A_1074 = arith.constant 16 : i32
      %mul3A_1075 = arith.muli %while3A_1072, %mul3A_1074 : i32
      %add3A_1076 = arith.addi %sub3A_16, %mul3A_1075 : i32
      %get3A_1077 = arith.index_cast %add3A_1076 : i32 to index
      %get3A_1078 = tpu.vector_load %arg5[%get3A_1077] {strides = array<i32>} : memref<1264xf32, #tpu.memory_space<vmem>>, vector<16xf32>,
      %ne3A_1079 = arith.constant 0.000000e+00 : f32
      %ne3A_1080 = vector.broadcast %ne3A_1079 : f32 to vector<16xf32>
      %ne3A_1081 = arith.cmpf one, %get3A_1078, %ne3A_1080 : vector<16xf32>
      %convert_element_type3A_1082 = arith.extui %ne3A_1081 : vector<16xi1> to vector<16xi32>
      %broadcast_in_dim3A_1083 = arith.constant true
      %broadcast_in_dim3A_1084 = vector.broadcast %broadcast_in_dim3A_1083 : i1 to vector<16xi1>
      %masked_cumsum3A = tpu.scan <sum>, %convert_element_type3A_1082 masked %broadcast_in_dim3A_1084 : vector<16xi32>, vector<16xi1> -> vector<16xi32>
      %add3A_1085 = vector.broadcast %while3A_1073 : i32 to vector<16xi32>
      %add3A_1086 = arith.addi %add3A_1085, %masked_cumsum3A : vector<16xi32>
      %sub3A_1087 = arith.constant 1 : i32
      %sub3A_1088 = vector.broadcast %sub3A_1087 : i32 to vector<16xi32>
      %sub3A_1089 = arith.subi %add3A_1086, %sub3A_1088 : vector<16xi32>
      %iota3A = tpu.iota {dimensions = array<i32: 0>} : vector<16xi32>
      %add3A_1090 = arith.addi %mul3A_10, %while3A_1072 : i32
      %mul3A_1091 = arith.constant 16 : i32
      %mul3A_1092 = arith.muli %add3A_1090, %mul3A_1091 : i32
      %add3A_1093 = vector.broadcast %mul3A_1092 : i32 to vector<16xi32>
      %add3A_1094 = arith.addi %iota3A, %add3A_1093 : vector<16xi32>
      %lt3A_1095 = arith.constant 2000 : i32
      %lt3A_1096 = vector.broadcast %lt3A_1095 : i32 to vector<16xi32>
      %lt3A_1097 = arith.cmpi slt, %sub3A_1089, %lt3A_1096 : vector<16xi32>
      %and3A_1098 = arith.andi %ne3A_1081, %lt3A_1097 : vector<16xi1>
      tpu.vector_store_idx %arg6[%sub3A_1089], %add3A_1094 masked %and3A_1098 : memref<2048xi32, #tpu.memory_space<vmem>>[vector<16xi32>], vector<16xi32>, vector<16xi1>
      %reduce_sum3A_1099 = arith.constant true
      %reduce_sum3A_1100 = vector.broadcast %reduce_sum3A_1099 : i1 to vector<16xi1>
      %reduce_sum3A_1101 = tpu.scan <sum>, %convert_element_type3A_1082 masked %reduce_sum3A_1100 : vector<16xi32>, vector<16xi1> -> vector<16xi32>
      %reduce_sum3A_1102 = vector.extract %reduce_sum3A_1101[15] : i32 from vector<16xi32>
      %add3A_1103 = arith.addi %while3A_1073, %reduce_sum3A_1102 : i32
      scf.yield %add3A_1103 : i32
    }
    "tpu.region"() ({
      %run_scoped3A = tpu.sem_alloc : memref<!tpu.dma_semaphore, #tpu.memory_space<semaphore_mem>>
      %dma_start3A_1072 = arith.constant 0 : i32
      %dma_start3A_1073 = tpu.memref_slice %arg15[%arg1, %dma_start3A_1072] : memref<16x2048xi32, #tpu.memory_space<vmem_shared>> -> memref<1x2048xi32, #tpu.memory_space<vmem_shared>>
      %dma_start3A_1074 = tpu.memref_squeeze %dma_start3A_1073 : memref<1x2048xi32, #tpu.memory_space<vmem_shared>> -> memref<2048xi32, #tpu.memory_space<vmem_shared>>
      %dma_start3A_1075 = arith.constant 0 : i32
      %dma_start3A_1076 = tpu.memref_slice %arg15[%arg1, %dma_start3A_1075] : memref<16x2048xi32, #tpu.memory_space<vmem_shared>> -> memref<1x2048xi32, #tpu.memory_space<vmem_shared>>
      %dma_start3A_1077 = tpu.memref_squeeze %dma_start3A_1076 : memref<1x2048xi32, #tpu.memory_space<vmem_shared>> -> memref<2048xi32, #tpu.memory_space<vmem_shared>>
      tpu.enqueue_dma source(%arg6 : memref<2048xi32, #tpu.memory_space<vmem>>) target(%dma_start3A_1077 : memref<2048xi32, #tpu.memory_space<vmem_shared>>) target_semaphore(%run_scoped3A : memref<!tpu.dma_semaphore, #tpu.memory_space<semaphore_mem>>)
      %dma_wait3A_1078 = arith.constant 0 : i32
      %dma_wait3A_1079 = tpu.memref_slice %arg15[%arg1, %dma_wait3A_1078] : memref<16x2048xi32, #tpu.memory_space<vmem_shared>> -> memref<1x2048xi32, #tpu.memory_space<vmem_shared>>
      %dma_wait3A_1080 = tpu.memref_squeeze %dma_wait3A_1079 : memref<1x2048xi32, #tpu.memory_space<vmem_shared>> -> memref<2048xi32, #tpu.memory_space<vmem_shared>>
      %dma_wait3A_1081 = arith.constant 0 : i32
      %dma_wait3A_1082 = tpu.memref_slice %arg15[%arg1, %dma_wait3A_1081] : memref<16x2048xi32, #tpu.memory_space<vmem_shared>> -> memref<1x2048xi32, #tpu.memory_space<vmem_shared>>
      %dma_wait3A_1083 = tpu.memref_squeeze %dma_wait3A_1082 : memref<1x2048xi32, #tpu.memory_space<vmem_shared>> -> memref<2048xi32, #tpu.memory_space<vmem_shared>>
      tpu.wait_dma2 semaphore(%run_scoped3A : memref<!tpu.dma_semaphore, #tpu.memory_space<semaphore_mem>>) src(%arg6 : memref<2048xi32, #tpu.memory_space<vmem>>) dst(%dma_wait3A_1083 : memref<2048xi32, #tpu.memory_space<vmem_shared>>)
      tpu.yield
    }) : () -> ()
    %barrier3A_202 = arith.constant 0 : index
    tpu.barrier barrier_id(%barrier3A_202)
    %mul3A_203 = arith.constant 64 : i32
    %mul3A_204 = arith.muli %add3A, %mul3A_203 : i32
    %jit3A = arith.constant 2 : i32
    %div3A = arith.divsi %add3A, %jit3A : i32
    %sign3A = arith.constant 0 : i32
    %sign3A_205 = arith.cmpi sgt, %add3A, %sign3A : i32
    %sign3A_206 = arith.extui %sign3A_205 : i1 to i32
    %sign3A_207 = arith.constant 0 : i32
    %sign3A_208 = arith.cmpi slt, %add3A, %sign3A_207 : i32
    %sign3A_209 = arith.extui %sign3A_208 : i1 to i32
    %sign3A_210 = arith.subi %sign3A_206, %sign3A_209 : i32
    %sign3A_211 = arith.constant 0 : i32
    %sign3A_212 = arith.cmpi sgt, %jit3A, %sign3A_211 : i32
    %sign3A_213 = arith.extui %sign3A_212 : i1 to i32
    %sign3A_214 = arith.constant 0 : i32
    %sign3A_215 = arith.cmpi slt, %jit3A, %sign3A_214 : i32
    %sign3A_216 = arith.extui %sign3A_215 : i1 to i32
    %sign3A_217 = arith.subi %sign3A_213, %sign3A_216 : i32
    %ne3A = arith.cmpi ne, %sign3A_210, %sign3A_217 : i32
    %rem3A = arith.remsi %add3A, %jit3A : i32
    %ne3A_218 = arith.constant 0 : i32
    %ne3A_219 = arith.cmpi ne, %rem3A, %ne3A_218 : i32
    %and3A = arith.andi %ne3A, %ne3A_219 : i1
    %sub3A_220 = arith.constant 1 : i32
    %sub3A_221 = arith.subi %div3A, %sub3A_220 : i32
    %select_n3A = arith.select %and3A, %sub3A_221, %div3A : i32
    %mul3A_222 = arith.constant 128 : i32
    %mul3A_223 = arith.muli %select_n3A, %mul3A_222 : i32
    "tpu.region"() ({
      %run_scoped3A = tpu.sem_alloc : memref<!tpu.dma_semaphore, #tpu.memory_space<semaphore_mem>>
      %dma_start3A_1072 = arith.constant 0 : i32
      %dma_start3A_1073 = tpu.memref_slice %arg15[%dma_start3A_1072, %mul3A_223] : memref<16x2048xi32, #tpu.memory_space<vmem_shared>> -> memref<16x128xi32, #tpu.memory_space<vmem_shared>>
      %dma_start3A_1074 = arith.constant 0 : i32
      %dma_start3A_1075 = tpu.memref_slice %arg15[%dma_start3A_1074, %mul3A_223] : memref<16x2048xi32, #tpu.memory_space<vmem_shared>> -> memref<16x128xi32, #tpu.memory_space<vmem_shared>>
      tpu.enqueue_dma source(%dma_start3A_1075 : memref<16x128xi32, #tpu.memory_space<vmem_shared>>) target(%arg9 : memref<16x128xi32, #tpu.memory_space<vmem>>) target_semaphore(%run_scoped3A : memref<!tpu.dma_semaphore, #tpu.memory_space<semaphore_mem>>)
      %dma_wait3A_1076 = arith.constant 0 : i32
      %dma_wait3A_1077 = tpu.memref_slice %arg15[%dma_wait3A_1076, %mul3A_223] : memref<16x2048xi32, #tpu.memory_space<vmem_shared>> -> memref<16x128xi32, #tpu.memory_space<vmem_shared>>
      %dma_wait3A_1078 = arith.constant 0 : i32
      %dma_wait3A_1079 = tpu.memref_slice %arg15[%dma_wait3A_1078, %mul3A_223] : memref<16x2048xi32, #tpu.memory_space<vmem_shared>> -> memref<16x128xi32, #tpu.memory_space<vmem_shared>>
      tpu.wait_dma2 semaphore(%run_scoped3A : memref<!tpu.dma_semaphore, #tpu.memory_space<semaphore_mem>>) src(%dma_wait3A_1079 : memref<16x128xi32, #tpu.memory_space<vmem_shared>>) dst(%arg9 : memref<16x128xi32, #tpu.memory_space<vmem>>)
      tpu.yield
    }) : () -> ()
    %broadcast_in_dim3A_224 = arith.constant 0 : i32
    %broadcast_in_dim3A_225 = vector.broadcast %broadcast_in_dim3A_224 : i32 to vector<16xi32>
    %get3A_226 = arith.constant 0 : i32
    %get3A_227 = arith.index_cast %get3A_226 : i32 to index
    %get3A_228 = arith.constant 0 : index
    %get3A_229 = tpu.vector_load %arg9[%get3A_227, %get3A_228] {strides = array<i32>} : memref<16x128xi32, #tpu.memory_space<vmem>>, vector<16xi32>,
    %add3A_230 = arith.addi %broadcast_in_dim3A_225, %get3A_229 : vector<16xi32>
    %get3A_231 = arith.constant 1 : i32
    %get3A_232 = arith.index_cast %get3A_231 : i32 to index
    %get3A_233 = arith.constant 0 : index
    %get3A_234 = tpu.vector_load %arg9[%get3A_232, %get3A_233] {strides = array<i32>} : memref<16x128xi32, #tpu.memory_space<vmem>>, vector<16xi32>,
    %add3A_235 = arith.addi %add3A_230, %get3A_234 : vector<16xi32>
    %get3A_236 = arith.constant 2 : i32
    %get3A_237 = arith.index_cast %get3A_236 : i32 to index
    %get3A_238 = arith.constant 0 : index
    %get3A_239 = tpu.vector_load %arg9[%get3A_237, %get3A_238] {strides = array<i32>} : memref<16x128xi32, #tpu.memory_space<vmem>>, vector<16xi32>,
    %add3A_240 = arith.addi %add3A_235, %get3A_239 : vector<16xi32>
    %get3A_241 = arith.constant 3 : i32
    %get3A_242 = arith.index_cast %get3A_241 : i32 to index
    %get3A_243 = arith.constant 0 : index
    %get3A_244 = tpu.vector_load %arg9[%get3A_242, %get3A_243] {strides = array<i32>} : memref<16x128xi32, #tpu.memory_space<vmem>>, vector<16xi32>,
    %add3A_245 = arith.addi %add3A_240, %get3A_244 : vector<16xi32>
    %get3A_246 = arith.constant 4 : i32
    %get3A_247 = arith.index_cast %get3A_246 : i32 to index
    %get3A_248 = arith.constant 0 : index
    %get3A_249 = tpu.vector_load %arg9[%get3A_247, %get3A_248] {strides = array<i32>} : memref<16x128xi32, #tpu.memory_space<vmem>>, vector<16xi32>,
    %add3A_250 = arith.addi %add3A_245, %get3A_249 : vector<16xi32>
    %get3A_251 = arith.constant 5 : i32
    %get3A_252 = arith.index_cast %get3A_251 : i32 to index
    %get3A_253 = arith.constant 0 : index
    %get3A_254 = tpu.vector_load %arg9[%get3A_252, %get3A_253] {strides = array<i32>} : memref<16x128xi32, #tpu.memory_space<vmem>>, vector<16xi32>,
    %add3A_255 = arith.addi %add3A_250, %get3A_254 : vector<16xi32>
    %get3A_256 = arith.constant 6 : i32
    %get3A_257 = arith.index_cast %get3A_256 : i32 to index
    %get3A_258 = arith.constant 0 : index
    %get3A_259 = tpu.vector_load %arg9[%get3A_257, %get3A_258] {strides = array<i32>} : memref<16x128xi32, #tpu.memory_space<vmem>>, vector<16xi32>,
    %add3A_260 = arith.addi %add3A_255, %get3A_259 : vector<16xi32>
    %get3A_261 = arith.constant 7 : i32
    %get3A_262 = arith.index_cast %get3A_261 : i32 to index
    %get3A_263 = arith.constant 0 : index
    %get3A_264 = tpu.vector_load %arg9[%get3A_262, %get3A_263] {strides = array<i32>} : memref<16x128xi32, #tpu.memory_space<vmem>>, vector<16xi32>,
    %add3A_265 = arith.addi %add3A_260, %get3A_264 : vector<16xi32>
    %get3A_266 = arith.constant 8 : i32
    %get3A_267 = arith.index_cast %get3A_266 : i32 to index
    %get3A_268 = arith.constant 0 : index
    %get3A_269 = tpu.vector_load %arg9[%get3A_267, %get3A_268] {strides = array<i32>} : memref<16x128xi32, #tpu.memory_space<vmem>>, vector<16xi32>,
    %add3A_270 = arith.addi %add3A_265, %get3A_269 : vector<16xi32>
    %get3A_271 = arith.constant 9 : i32
    %get3A_272 = arith.index_cast %get3A_271 : i32 to index
    %get3A_273 = arith.constant 0 : index
    %get3A_274 = tpu.vector_load %arg9[%get3A_272, %get3A_273] {strides = array<i32>} : memref<16x128xi32, #tpu.memory_space<vmem>>, vector<16xi32>,
    %add3A_275 = arith.addi %add3A_270, %get3A_274 : vector<16xi32>
    %get3A_276 = arith.constant 10 : i32
    %get3A_277 = arith.index_cast %get3A_276 : i32 to index
    %get3A_278 = arith.constant 0 : index
    %get3A_279 = tpu.vector_load %arg9[%get3A_277, %get3A_278] {strides = array<i32>} : memref<16x128xi32, #tpu.memory_space<vmem>>, vector<16xi32>,
    %add3A_280 = arith.addi %add3A_275, %get3A_279 : vector<16xi32>
    %get3A_281 = arith.constant 11 : i32
    %get3A_282 = arith.index_cast %get3A_281 : i32 to index
    %get3A_283 = arith.constant 0 : index
    %get3A_284 = tpu.vector_load %arg9[%get3A_282, %get3A_283] {strides = array<i32>} : memref<16x128xi32, #tpu.memory_space<vmem>>, vector<16xi32>,
    %add3A_285 = arith.addi %add3A_280, %get3A_284 : vector<16xi32>
    %get3A_286 = arith.constant 12 : i32
    %get3A_287 = arith.index_cast %get3A_286 : i32 to index
    %get3A_288 = arith.constant 0 : index
    %get3A_289 = tpu.vector_load %arg9[%get3A_287, %get3A_288] {strides = array<i32>} : memref<16x128xi32, #tpu.memory_space<vmem>>, vector<16xi32>,
    %add3A_290 = arith.addi %add3A_285, %get3A_289 : vector<16xi32>
    %get3A_291 = arith.constant 13 : i32
    %get3A_292 = arith.index_cast %get3A_291 : i32 to index
    %get3A_293 = arith.constant 0 : index
    %get3A_294 = tpu.vector_load %arg9[%get3A_292, %get3A_293] {strides = array<i32>} : memref<16x128xi32, #tpu.memory_space<vmem>>, vector<16xi32>,
    %add3A_295 = arith.addi %add3A_290, %get3A_294 : vector<16xi32>
    %get3A_296 = arith.constant 14 : i32
    %get3A_297 = arith.index_cast %get3A_296 : i32 to index
    %get3A_298 = arith.constant 0 : index
    %get3A_299 = tpu.vector_load %arg9[%get3A_297, %get3A_298] {strides = array<i32>} : memref<16x128xi32, #tpu.memory_space<vmem>>, vector<16xi32>,
    %add3A_300 = arith.addi %add3A_295, %get3A_299 : vector<16xi32>
    %get3A_301 = arith.constant 15 : i32
    %get3A_302 = arith.index_cast %get3A_301 : i32 to index
    %get3A_303 = arith.constant 0 : index
    %get3A_304 = tpu.vector_load %arg9[%get3A_302, %get3A_303] {strides = array<i32>} : memref<16x128xi32, #tpu.memory_space<vmem>>, vector<16xi32>,
    %add3A_305 = arith.addi %add3A_300, %get3A_304 : vector<16xi32>
    %swap3A_306 = arith.constant 0 : index
    %swap3A_307 = tpu.vector_load %arg10[%swap3A_306] {strides = array<i32>} : memref<128xi32, #tpu.memory_space<vmem>>, vector<16xi32>,
    tpu.vector_store %arg10[%swap3A_306], %add3A_305 {strides = array<i32>} : memref<128xi32, #tpu.memory_space<vmem>>, vector<16xi32>,
    %broadcast_in_dim3A_308 = arith.constant 0 : i32
    %broadcast_in_dim3A_309 = vector.broadcast %broadcast_in_dim3A_308 : i32 to vector<16xi32>
    %get3A_310 = arith.constant 0 : i32
    %get3A_311 = arith.index_cast %get3A_310 : i32 to index
    %get3A_312 = arith.constant 16 : index
    %get3A_313 = tpu.vector_load %arg9[%get3A_311, %get3A_312] {strides = array<i32>} : memref<16x128xi32, #tpu.memory_space<vmem>>, vector<16xi32>,
    %add3A_314 = arith.addi %broadcast_in_dim3A_309, %get3A_313 : vector<16xi32>
    %get3A_315 = arith.constant 1 : i32
    %get3A_316 = arith.index_cast %get3A_315 : i32 to index
    %get3A_317 = arith.constant 16 : index
    %get3A_318 = tpu.vector_load %arg9[%get3A_316, %get3A_317] {strides = array<i32>} : memref<16x128xi32, #tpu.memory_space<vmem>>, vector<16xi32>,
    %add3A_319 = arith.addi %add3A_314, %get3A_318 : vector<16xi32>
    %get3A_320 = arith.constant 2 : i32
    %get3A_321 = arith.index_cast %get3A_320 : i32 to index
    %get3A_322 = arith.constant 16 : index
    %get3A_323 = tpu.vector_load %arg9[%get3A_321, %get3A_322] {strides = array<i32>} : memref<16x128xi32, #tpu.memory_space<vmem>>, vector<16xi32>,
    %add3A_324 = arith.addi %add3A_319, %get3A_323 : vector<16xi32>
    %get3A_325 = arith.constant 3 : i32
    %get3A_326 = arith.index_cast %get3A_325 : i32 to index
    %get3A_327 = arith.constant 16 : index
    %get3A_328 = tpu.vector_load %arg9[%get3A_326, %get3A_327] {strides = array<i32>} : memref<16x128xi32, #tpu.memory_space<vmem>>, vector<16xi32>,
    %add3A_329 = arith.addi %add3A_324, %get3A_328 : vector<16xi32>
    %get3A_330 = arith.constant 4 : i32
    %get3A_331 = arith.index_cast %get3A_330 : i32 to index
    %get3A_332 = arith.constant 16 : index
    %get3A_333 = tpu.vector_load %arg9[%get3A_331, %get3A_332] {strides = array<i32>} : memref<16x128xi32, #tpu.memory_space<vmem>>, vector<16xi32>,
    %add3A_334 = arith.addi %add3A_329, %get3A_333 : vector<16xi32>
    %get3A_335 = arith.constant 5 : i32
    %get3A_336 = arith.index_cast %get3A_335 : i32 to index
    %get3A_337 = arith.constant 16 : index
    %get3A_338 = tpu.vector_load %arg9[%get3A_336, %get3A_337] {strides = array<i32>} : memref<16x128xi32, #tpu.memory_space<vmem>>, vector<16xi32>,
    %add3A_339 = arith.addi %add3A_334, %get3A_338 : vector<16xi32>
    %get3A_340 = arith.constant 6 : i32
    %get3A_341 = arith.index_cast %get3A_340 : i32 to index
    %get3A_342 = arith.constant 16 : index
    %get3A_343 = tpu.vector_load %arg9[%get3A_341, %get3A_342] {strides = array<i32>} : memref<16x128xi32, #tpu.memory_space<vmem>>, vector<16xi32>,
    %add3A_344 = arith.addi %add3A_339, %get3A_343 : vector<16xi32>
    %get3A_345 = arith.constant 7 : i32
    %get3A_346 = arith.index_cast %get3A_345 : i32 to index
    %get3A_347 = arith.constant 16 : index
    %get3A_348 = tpu.vector_load %arg9[%get3A_346, %get3A_347] {strides = array<i32>} : memref<16x128xi32, #tpu.memory_space<vmem>>, vector<16xi32>,
    %add3A_349 = arith.addi %add3A_344, %get3A_348 : vector<16xi32>
    %get3A_350 = arith.constant 8 : i32
    %get3A_351 = arith.index_cast %get3A_350 : i32 to index
    %get3A_352 = arith.constant 16 : index
    %get3A_353 = tpu.vector_load %arg9[%get3A_351, %get3A_352] {strides = array<i32>} : memref<16x128xi32, #tpu.memory_space<vmem>>, vector<16xi32>,
    %add3A_354 = arith.addi %add3A_349, %get3A_353 : vector<16xi32>
    %get3A_355 = arith.constant 9 : i32
    %get3A_356 = arith.index_cast %get3A_355 : i32 to index
    %get3A_357 = arith.constant 16 : index
    %get3A_358 = tpu.vector_load %arg9[%get3A_356, %get3A_357] {strides = array<i32>} : memref<16x128xi32, #tpu.memory_space<vmem>>, vector<16xi32>,
    %add3A_359 = arith.addi %add3A_354, %get3A_358 : vector<16xi32>
    %get3A_360 = arith.constant 10 : i32
    %get3A_361 = arith.index_cast %get3A_360 : i32 to index
    %get3A_362 = arith.constant 16 : index
    %get3A_363 = tpu.vector_load %arg9[%get3A_361, %get3A_362] {strides = array<i32>} : memref<16x128xi32, #tpu.memory_space<vmem>>, vector<16xi32>,
    %add3A_364 = arith.addi %add3A_359, %get3A_363 : vector<16xi32>
    %get3A_365 = arith.constant 11 : i32
    %get3A_366 = arith.index_cast %get3A_365 : i32 to index
    %get3A_367 = arith.constant 16 : index
    %get3A_368 = tpu.vector_load %arg9[%get3A_366, %get3A_367] {strides = array<i32>} : memref<16x128xi32, #tpu.memory_space<vmem>>, vector<16xi32>,
    %add3A_369 = arith.addi %add3A_364, %get3A_368 : vector<16xi32>
    %get3A_370 = arith.constant 12 : i32
    %get3A_371 = arith.index_cast %get3A_370 : i32 to index
    %get3A_372 = arith.constant 16 : index
    %get3A_373 = tpu.vector_load %arg9[%get3A_371, %get3A_372] {strides = array<i32>} : memref<16x128xi32, #tpu.memory_space<vmem>>, vector<16xi32>,
    %add3A_374 = arith.addi %add3A_369, %get3A_373 : vector<16xi32>
    %get3A_375 = arith.constant 13 : i32
    %get3A_376 = arith.index_cast %get3A_375 : i32 to index
    %get3A_377 = arith.constant 16 : index
    %get3A_378 = tpu.vector_load %arg9[%get3A_376, %get3A_377] {strides = array<i32>} : memref<16x128xi32, #tpu.memory_space<vmem>>, vector<16xi32>,
    %add3A_379 = arith.addi %add3A_374, %get3A_378 : vector<16xi32>
    %get3A_380 = arith.constant 14 : i32
    %get3A_381 = arith.index_cast %get3A_380 : i32 to index
    %get3A_382 = arith.constant 16 : index
    %get3A_383 = tpu.vector_load %arg9[%get3A_381, %get3A_382] {strides = array<i32>} : memref<16x128xi32, #tpu.memory_space<vmem>>, vector<16xi32>,
    %add3A_384 = arith.addi %add3A_379, %get3A_383 : vector<16xi32>
    %get3A_385 = arith.constant 15 : i32
    %get3A_386 = arith.index_cast %get3A_385 : i32 to index
    %get3A_387 = arith.constant 16 : index
    %get3A_388 = tpu.vector_load %arg9[%get3A_386, %get3A_387] {strides = array<i32>} : memref<16x128xi32, #tpu.memory_space<vmem>>, vector<16xi32>,
    %add3A_389 = arith.addi %add3A_384, %get3A_388 : vector<16xi32>
    %swap3A_390 = arith.constant 16 : index
    %swap3A_391 = tpu.vector_load %arg10[%swap3A_390] {strides = array<i32>} : memref<128xi32, #tpu.memory_space<vmem>>, vector<16xi32>,
    tpu.vector_store %arg10[%swap3A_390], %add3A_389 {strides = array<i32>} : memref<128xi32, #tpu.memory_space<vmem>>, vector<16xi32>,
    %broadcast_in_dim3A_392 = arith.constant 0 : i32
    %broadcast_in_dim3A_393 = vector.broadcast %broadcast_in_dim3A_392 : i32 to vector<16xi32>
    %get3A_394 = arith.constant 0 : i32
    %get3A_395 = arith.index_cast %get3A_394 : i32 to index
    %get3A_396 = arith.constant 32 : index
    %get3A_397 = tpu.vector_load %arg9[%get3A_395, %get3A_396] {strides = array<i32>} : memref<16x128xi32, #tpu.memory_space<vmem>>, vector<16xi32>,
    %add3A_398 = arith.addi %broadcast_in_dim3A_393, %get3A_397 : vector<16xi32>
    %get3A_399 = arith.constant 1 : i32
    %get3A_400 = arith.index_cast %get3A_399 : i32 to index
    %get3A_401 = arith.constant 32 : index
    %get3A_402 = tpu.vector_load %arg9[%get3A_400, %get3A_401] {strides = array<i32>} : memref<16x128xi32, #tpu.memory_space<vmem>>, vector<16xi32>,
    %add3A_403 = arith.addi %add3A_398, %get3A_402 : vector<16xi32>
    %get3A_404 = arith.constant 2 : i32
    %get3A_405 = arith.index_cast %get3A_404 : i32 to index
    %get3A_406 = arith.constant 32 : index
    %get3A_407 = tpu.vector_load %arg9[%get3A_405, %get3A_406] {strides = array<i32>} : memref<16x128xi32, #tpu.memory_space<vmem>>, vector<16xi32>,
    %add3A_408 = arith.addi %add3A_403, %get3A_407 : vector<16xi32>
    %get3A_409 = arith.constant 3 : i32
    %get3A_410 = arith.index_cast %get3A_409 : i32 to index
    %get3A_411 = arith.constant 32 : index
    %get3A_412 = tpu.vector_load %arg9[%get3A_410, %get3A_411] {strides = array<i32>} : memref<16x128xi32, #tpu.memory_space<vmem>>, vector<16xi32>,
    %add3A_413 = arith.addi %add3A_408, %get3A_412 : vector<16xi32>
    %get3A_414 = arith.constant 4 : i32
    %get3A_415 = arith.index_cast %get3A_414 : i32 to index
    %get3A_416 = arith.constant 32 : index
    %get3A_417 = tpu.vector_load %arg9[%get3A_415, %get3A_416] {strides = array<i32>} : memref<16x128xi32, #tpu.memory_space<vmem>>, vector<16xi32>,
    %add3A_418 = arith.addi %add3A_413, %get3A_417 : vector<16xi32>
    %get3A_419 = arith.constant 5 : i32
    %get3A_420 = arith.index_cast %get3A_419 : i32 to index
    %get3A_421 = arith.constant 32 : index
    %get3A_422 = tpu.vector_load %arg9[%get3A_420, %get3A_421] {strides = array<i32>} : memref<16x128xi32, #tpu.memory_space<vmem>>, vector<16xi32>,
    %add3A_423 = arith.addi %add3A_418, %get3A_422 : vector<16xi32>
    %get3A_424 = arith.constant 6 : i32
    %get3A_425 = arith.index_cast %get3A_424 : i32 to index
    %get3A_426 = arith.constant 32 : index
    %get3A_427 = tpu.vector_load %arg9[%get3A_425, %get3A_426] {strides = array<i32>} : memref<16x128xi32, #tpu.memory_space<vmem>>, vector<16xi32>,
    %add3A_428 = arith.addi %add3A_423, %get3A_427 : vector<16xi32>
    %get3A_429 = arith.constant 7 : i32
    %get3A_430 = arith.index_cast %get3A_429 : i32 to index
    %get3A_431 = arith.constant 32 : index
    %get3A_432 = tpu.vector_load %arg9[%get3A_430, %get3A_431] {strides = array<i32>} : memref<16x128xi32, #tpu.memory_space<vmem>>, vector<16xi32>,
    %add3A_433 = arith.addi %add3A_428, %get3A_432 : vector<16xi32>
    %get3A_434 = arith.constant 8 : i32
    %get3A_435 = arith.index_cast %get3A_434 : i32 to index
    %get3A_436 = arith.constant 32 : index
    %get3A_437 = tpu.vector_load %arg9[%get3A_435, %get3A_436] {strides = array<i32>} : memref<16x128xi32, #tpu.memory_space<vmem>>, vector<16xi32>,
    %add3A_438 = arith.addi %add3A_433, %get3A_437 : vector<16xi32>
    %get3A_439 = arith.constant 9 : i32
    %get3A_440 = arith.index_cast %get3A_439 : i32 to index
    %get3A_441 = arith.constant 32 : index
    %get3A_442 = tpu.vector_load %arg9[%get3A_440, %get3A_441] {strides = array<i32>} : memref<16x128xi32, #tpu.memory_space<vmem>>, vector<16xi32>,
    %add3A_443 = arith.addi %add3A_438, %get3A_442 : vector<16xi32>
    %get3A_444 = arith.constant 10 : i32
    %get3A_445 = arith.index_cast %get3A_444 : i32 to index
    %get3A_446 = arith.constant 32 : index
    %get3A_447 = tpu.vector_load %arg9[%get3A_445, %get3A_446] {strides = array<i32>} : memref<16x128xi32, #tpu.memory_space<vmem>>, vector<16xi32>,
    %add3A_448 = arith.addi %add3A_443, %get3A_447 : vector<16xi32>
    %get3A_449 = arith.constant 11 : i32
    %get3A_450 = arith.index_cast %get3A_449 : i32 to index
    %get3A_451 = arith.constant 32 : index
    %get3A_452 = tpu.vector_load %arg9[%get3A_450, %get3A_451] {strides = array<i32>} : memref<16x128xi32, #tpu.memory_space<vmem>>, vector<16xi32>,
    %add3A_453 = arith.addi %add3A_448, %get3A_452 : vector<16xi32>
    %get3A_454 = arith.constant 12 : i32
    %get3A_455 = arith.index_cast %get3A_454 : i32 to index
    %get3A_456 = arith.constant 32 : index
    %get3A_457 = tpu.vector_load %arg9[%get3A_455, %get3A_456] {strides = array<i32>} : memref<16x128xi32, #tpu.memory_space<vmem>>, vector<16xi32>,
    %add3A_458 = arith.addi %add3A_453, %get3A_457 : vector<16xi32>
    %get3A_459 = arith.constant 13 : i32
    %get3A_460 = arith.index_cast %get3A_459 : i32 to index
    %get3A_461 = arith.constant 32 : index
    %get3A_462 = tpu.vector_load %arg9[%get3A_460, %get3A_461] {strides = array<i32>} : memref<16x128xi32, #tpu.memory_space<vmem>>, vector<16xi32>,
    %add3A_463 = arith.addi %add3A_458, %get3A_462 : vector<16xi32>
    %get3A_464 = arith.constant 14 : i32
    %get3A_465 = arith.index_cast %get3A_464 : i32 to index
    %get3A_466 = arith.constant 32 : index
    %get3A_467 = tpu.vector_load %arg9[%get3A_465, %get3A_466] {strides = array<i32>} : memref<16x128xi32, #tpu.memory_space<vmem>>, vector<16xi32>,
    %add3A_468 = arith.addi %add3A_463, %get3A_467 : vector<16xi32>
    %get3A_469 = arith.constant 15 : i32
    %get3A_470 = arith.index_cast %get3A_469 : i32 to index
    %get3A_471 = arith.constant 32 : index
    %get3A_472 = tpu.vector_load %arg9[%get3A_470, %get3A_471] {strides = array<i32>} : memref<16x128xi32, #tpu.memory_space<vmem>>, vector<16xi32>,
    %add3A_473 = arith.addi %add3A_468, %get3A_472 : vector<16xi32>
    %swap3A_474 = arith.constant 32 : index
    %swap3A_475 = tpu.vector_load %arg10[%swap3A_474] {strides = array<i32>} : memref<128xi32, #tpu.memory_space<vmem>>, vector<16xi32>,
    tpu.vector_store %arg10[%swap3A_474], %add3A_473 {strides = array<i32>} : memref<128xi32, #tpu.memory_space<vmem>>, vector<16xi32>,
    %broadcast_in_dim3A_476 = arith.constant 0 : i32
    %broadcast_in_dim3A_477 = vector.broadcast %broadcast_in_dim3A_476 : i32 to vector<16xi32>
    %get3A_478 = arith.constant 0 : i32
    %get3A_479 = arith.index_cast %get3A_478 : i32 to index
    %get3A_480 = arith.constant 48 : index
    %get3A_481 = tpu.vector_load %arg9[%get3A_479, %get3A_480] {strides = array<i32>} : memref<16x128xi32, #tpu.memory_space<vmem>>, vector<16xi32>,
    %add3A_482 = arith.addi %broadcast_in_dim3A_477, %get3A_481 : vector<16xi32>
    %get3A_483 = arith.constant 1 : i32
    %get3A_484 = arith.index_cast %get3A_483 : i32 to index
    %get3A_485 = arith.constant 48 : index
    %get3A_486 = tpu.vector_load %arg9[%get3A_484, %get3A_485] {strides = array<i32>} : memref<16x128xi32, #tpu.memory_space<vmem>>, vector<16xi32>,
    %add3A_487 = arith.addi %add3A_482, %get3A_486 : vector<16xi32>
    %get3A_488 = arith.constant 2 : i32
    %get3A_489 = arith.index_cast %get3A_488 : i32 to index
    %get3A_490 = arith.constant 48 : index
    %get3A_491 = tpu.vector_load %arg9[%get3A_489, %get3A_490] {strides = array<i32>} : memref<16x128xi32, #tpu.memory_space<vmem>>, vector<16xi32>,
    %add3A_492 = arith.addi %add3A_487, %get3A_491 : vector<16xi32>
    %get3A_493 = arith.constant 3 : i32
    %get3A_494 = arith.index_cast %get3A_493 : i32 to index
    %get3A_495 = arith.constant 48 : index
    %get3A_496 = tpu.vector_load %arg9[%get3A_494, %get3A_495] {strides = array<i32>} : memref<16x128xi32, #tpu.memory_space<vmem>>, vector<16xi32>,
    %add3A_497 = arith.addi %add3A_492, %get3A_496 : vector<16xi32>
    %get3A_498 = arith.constant 4 : i32
    %get3A_499 = arith.index_cast %get3A_498 : i32 to index
    %get3A_500 = arith.constant 48 : index
    %get3A_501 = tpu.vector_load %arg9[%get3A_499, %get3A_500] {strides = array<i32>} : memref<16x128xi32, #tpu.memory_space<vmem>>, vector<16xi32>,
    %add3A_502 = arith.addi %add3A_497, %get3A_501 : vector<16xi32>
    %get3A_503 = arith.constant 5 : i32
    %get3A_504 = arith.index_cast %get3A_503 : i32 to index
    %get3A_505 = arith.constant 48 : index
    %get3A_506 = tpu.vector_load %arg9[%get3A_504, %get3A_505] {strides = array<i32>} : memref<16x128xi32, #tpu.memory_space<vmem>>, vector<16xi32>,
    %add3A_507 = arith.addi %add3A_502, %get3A_506 : vector<16xi32>
    %get3A_508 = arith.constant 6 : i32
    %get3A_509 = arith.index_cast %get3A_508 : i32 to index
    %get3A_510 = arith.constant 48 : index
    %get3A_511 = tpu.vector_load %arg9[%get3A_509, %get3A_510] {strides = array<i32>} : memref<16x128xi32, #tpu.memory_space<vmem>>, vector<16xi32>,
    %add3A_512 = arith.addi %add3A_507, %get3A_511 : vector<16xi32>
    %get3A_513 = arith.constant 7 : i32
    %get3A_514 = arith.index_cast %get3A_513 : i32 to index
    %get3A_515 = arith.constant 48 : index
    %get3A_516 = tpu.vector_load %arg9[%get3A_514, %get3A_515] {strides = array<i32>} : memref<16x128xi32, #tpu.memory_space<vmem>>, vector<16xi32>,
    %add3A_517 = arith.addi %add3A_512, %get3A_516 : vector<16xi32>
    %get3A_518 = arith.constant 8 : i32
    %get3A_519 = arith.index_cast %get3A_518 : i32 to index
    %get3A_520 = arith.constant 48 : index
    %get3A_521 = tpu.vector_load %arg9[%get3A_519, %get3A_520] {strides = array<i32>} : memref<16x128xi32, #tpu.memory_space<vmem>>, vector<16xi32>,
    %add3A_522 = arith.addi %add3A_517, %get3A_521 : vector<16xi32>
    %get3A_523 = arith.constant 9 : i32
    %get3A_524 = arith.index_cast %get3A_523 : i32 to index
    %get3A_525 = arith.constant 48 : index
    %get3A_526 = tpu.vector_load %arg9[%get3A_524, %get3A_525] {strides = array<i32>} : memref<16x128xi32, #tpu.memory_space<vmem>>, vector<16xi32>,
    %add3A_527 = arith.addi %add3A_522, %get3A_526 : vector<16xi32>
    %get3A_528 = arith.constant 10 : i32
    %get3A_529 = arith.index_cast %get3A_528 : i32 to index
    %get3A_530 = arith.constant 48 : index
    %get3A_531 = tpu.vector_load %arg9[%get3A_529, %get3A_530] {strides = array<i32>} : memref<16x128xi32, #tpu.memory_space<vmem>>, vector<16xi32>,
    %add3A_532 = arith.addi %add3A_527, %get3A_531 : vector<16xi32>
    %get3A_533 = arith.constant 11 : i32
    %get3A_534 = arith.index_cast %get3A_533 : i32 to index
    %get3A_535 = arith.constant 48 : index
    %get3A_536 = tpu.vector_load %arg9[%get3A_534, %get3A_535] {strides = array<i32>} : memref<16x128xi32, #tpu.memory_space<vmem>>, vector<16xi32>,
    %add3A_537 = arith.addi %add3A_532, %get3A_536 : vector<16xi32>
    %get3A_538 = arith.constant 12 : i32
    %get3A_539 = arith.index_cast %get3A_538 : i32 to index
    %get3A_540 = arith.constant 48 : index
    %get3A_541 = tpu.vector_load %arg9[%get3A_539, %get3A_540] {strides = array<i32>} : memref<16x128xi32, #tpu.memory_space<vmem>>, vector<16xi32>,
    %add3A_542 = arith.addi %add3A_537, %get3A_541 : vector<16xi32>
    %get3A_543 = arith.constant 13 : i32
    %get3A_544 = arith.index_cast %get3A_543 : i32 to index
    %get3A_545 = arith.constant 48 : index
    %get3A_546 = tpu.vector_load %arg9[%get3A_544, %get3A_545] {strides = array<i32>} : memref<16x128xi32, #tpu.memory_space<vmem>>, vector<16xi32>,
    %add3A_547 = arith.addi %add3A_542, %get3A_546 : vector<16xi32>
    %get3A_548 = arith.constant 14 : i32
    %get3A_549 = arith.index_cast %get3A_548 : i32 to index
    %get3A_550 = arith.constant 48 : index
    %get3A_551 = tpu.vector_load %arg9[%get3A_549, %get3A_550] {strides = array<i32>} : memref<16x128xi32, #tpu.memory_space<vmem>>, vector<16xi32>,
    %add3A_552 = arith.addi %add3A_547, %get3A_551 : vector<16xi32>
    %get3A_553 = arith.constant 15 : i32
    %get3A_554 = arith.index_cast %get3A_553 : i32 to index
    %get3A_555 = arith.constant 48 : index
    %get3A_556 = tpu.vector_load %arg9[%get3A_554, %get3A_555] {strides = array<i32>} : memref<16x128xi32, #tpu.memory_space<vmem>>, vector<16xi32>,
    %add3A_557 = arith.addi %add3A_552, %get3A_556 : vector<16xi32>
    %swap3A_558 = arith.constant 48 : index
    %swap3A_559 = tpu.vector_load %arg10[%swap3A_558] {strides = array<i32>} : memref<128xi32, #tpu.memory_space<vmem>>, vector<16xi32>,
    tpu.vector_store %arg10[%swap3A_558], %add3A_557 {strides = array<i32>} : memref<128xi32, #tpu.memory_space<vmem>>, vector<16xi32>,
    %broadcast_in_dim3A_560 = arith.constant 0 : i32
    %broadcast_in_dim3A_561 = vector.broadcast %broadcast_in_dim3A_560 : i32 to vector<16xi32>
    %get3A_562 = arith.constant 0 : i32
    %get3A_563 = arith.index_cast %get3A_562 : i32 to index
    %get3A_564 = arith.constant 64 : index
    %get3A_565 = tpu.vector_load %arg9[%get3A_563, %get3A_564] {strides = array<i32>} : memref<16x128xi32, #tpu.memory_space<vmem>>, vector<16xi32>,
    %add3A_566 = arith.addi %broadcast_in_dim3A_561, %get3A_565 : vector<16xi32>
    %get3A_567 = arith.constant 1 : i32
    %get3A_568 = arith.index_cast %get3A_567 : i32 to index
    %get3A_569 = arith.constant 64 : index
    %get3A_570 = tpu.vector_load %arg9[%get3A_568, %get3A_569] {strides = array<i32>} : memref<16x128xi32, #tpu.memory_space<vmem>>, vector<16xi32>,
    %add3A_571 = arith.addi %add3A_566, %get3A_570 : vector<16xi32>
    %get3A_572 = arith.constant 2 : i32
    %get3A_573 = arith.index_cast %get3A_572 : i32 to index
    %get3A_574 = arith.constant 64 : index
    %get3A_575 = tpu.vector_load %arg9[%get3A_573, %get3A_574] {strides = array<i32>} : memref<16x128xi32, #tpu.memory_space<vmem>>, vector<16xi32>,
    %add3A_576 = arith.addi %add3A_571, %get3A_575 : vector<16xi32>
    %get3A_577 = arith.constant 3 : i32
    %get3A_578 = arith.index_cast %get3A_577 : i32 to index
    %get3A_579 = arith.constant 64 : index
    %get3A_580 = tpu.vector_load %arg9[%get3A_578, %get3A_579] {strides = array<i32>} : memref<16x128xi32, #tpu.memory_space<vmem>>, vector<16xi32>,
    %add3A_581 = arith.addi %add3A_576, %get3A_580 : vector<16xi32>
    %get3A_582 = arith.constant 4 : i32
    %get3A_583 = arith.index_cast %get3A_582 : i32 to index
    %get3A_584 = arith.constant 64 : index
    %get3A_585 = tpu.vector_load %arg9[%get3A_583, %get3A_584] {strides = array<i32>} : memref<16x128xi32, #tpu.memory_space<vmem>>, vector<16xi32>,
    %add3A_586 = arith.addi %add3A_581, %get3A_585 : vector<16xi32>
    %get3A_587 = arith.constant 5 : i32
    %get3A_588 = arith.index_cast %get3A_587 : i32 to index
    %get3A_589 = arith.constant 64 : index
    %get3A_590 = tpu.vector_load %arg9[%get3A_588, %get3A_589] {strides = array<i32>} : memref<16x128xi32, #tpu.memory_space<vmem>>, vector<16xi32>,
    %add3A_591 = arith.addi %add3A_586, %get3A_590 : vector<16xi32>
    %get3A_592 = arith.constant 6 : i32
    %get3A_593 = arith.index_cast %get3A_592 : i32 to index
    %get3A_594 = arith.constant 64 : index
    %get3A_595 = tpu.vector_load %arg9[%get3A_593, %get3A_594] {strides = array<i32>} : memref<16x128xi32, #tpu.memory_space<vmem>>, vector<16xi32>,
    %add3A_596 = arith.addi %add3A_591, %get3A_595 : vector<16xi32>
    %get3A_597 = arith.constant 7 : i32
    %get3A_598 = arith.index_cast %get3A_597 : i32 to index
    %get3A_599 = arith.constant 64 : index
    %get3A_600 = tpu.vector_load %arg9[%get3A_598, %get3A_599] {strides = array<i32>} : memref<16x128xi32, #tpu.memory_space<vmem>>, vector<16xi32>,
    %add3A_601 = arith.addi %add3A_596, %get3A_600 : vector<16xi32>
    %get3A_602 = arith.constant 8 : i32
    %get3A_603 = arith.index_cast %get3A_602 : i32 to index
    %get3A_604 = arith.constant 64 : index
    %get3A_605 = tpu.vector_load %arg9[%get3A_603, %get3A_604] {strides = array<i32>} : memref<16x128xi32, #tpu.memory_space<vmem>>, vector<16xi32>,
    %add3A_606 = arith.addi %add3A_601, %get3A_605 : vector<16xi32>
    %get3A_607 = arith.constant 9 : i32
    %get3A_608 = arith.index_cast %get3A_607 : i32 to index
    %get3A_609 = arith.constant 64 : index
    %get3A_610 = tpu.vector_load %arg9[%get3A_608, %get3A_609] {strides = array<i32>} : memref<16x128xi32, #tpu.memory_space<vmem>>, vector<16xi32>,
    %add3A_611 = arith.addi %add3A_606, %get3A_610 : vector<16xi32>
    %get3A_612 = arith.constant 10 : i32
    %get3A_613 = arith.index_cast %get3A_612 : i32 to index
    %get3A_614 = arith.constant 64 : index
    %get3A_615 = tpu.vector_load %arg9[%get3A_613, %get3A_614] {strides = array<i32>} : memref<16x128xi32, #tpu.memory_space<vmem>>, vector<16xi32>,
    %add3A_616 = arith.addi %add3A_611, %get3A_615 : vector<16xi32>
    %get3A_617 = arith.constant 11 : i32
    %get3A_618 = arith.index_cast %get3A_617 : i32 to index
    %get3A_619 = arith.constant 64 : index
    %get3A_620 = tpu.vector_load %arg9[%get3A_618, %get3A_619] {strides = array<i32>} : memref<16x128xi32, #tpu.memory_space<vmem>>, vector<16xi32>,
    %add3A_621 = arith.addi %add3A_616, %get3A_620 : vector<16xi32>
    %get3A_622 = arith.constant 12 : i32
    %get3A_623 = arith.index_cast %get3A_622 : i32 to index
    %get3A_624 = arith.constant 64 : index
    %get3A_625 = tpu.vector_load %arg9[%get3A_623, %get3A_624] {strides = array<i32>} : memref<16x128xi32, #tpu.memory_space<vmem>>, vector<16xi32>,
    %add3A_626 = arith.addi %add3A_621, %get3A_625 : vector<16xi32>
    %get3A_627 = arith.constant 13 : i32
    %get3A_628 = arith.index_cast %get3A_627 : i32 to index
    %get3A_629 = arith.constant 64 : index
    %get3A_630 = tpu.vector_load %arg9[%get3A_628, %get3A_629] {strides = array<i32>} : memref<16x128xi32, #tpu.memory_space<vmem>>, vector<16xi32>,
    %add3A_631 = arith.addi %add3A_626, %get3A_630 : vector<16xi32>
    %get3A_632 = arith.constant 14 : i32
    %get3A_633 = arith.index_cast %get3A_632 : i32 to index
    %get3A_634 = arith.constant 64 : index
    %get3A_635 = tpu.vector_load %arg9[%get3A_633, %get3A_634] {strides = array<i32>} : memref<16x128xi32, #tpu.memory_space<vmem>>, vector<16xi32>,
    %add3A_636 = arith.addi %add3A_631, %get3A_635 : vector<16xi32>
    %get3A_637 = arith.constant 15 : i32
    %get3A_638 = arith.index_cast %get3A_637 : i32 to index
    %get3A_639 = arith.constant 64 : index
    %get3A_640 = tpu.vector_load %arg9[%get3A_638, %get3A_639] {strides = array<i32>} : memref<16x128xi32, #tpu.memory_space<vmem>>, vector<16xi32>,
    %add3A_641 = arith.addi %add3A_636, %get3A_640 : vector<16xi32>
    %swap3A_642 = arith.constant 64 : index
    %swap3A_643 = tpu.vector_load %arg10[%swap3A_642] {strides = array<i32>} : memref<128xi32, #tpu.memory_space<vmem>>, vector<16xi32>,
    tpu.vector_store %arg10[%swap3A_642], %add3A_641 {strides = array<i32>} : memref<128xi32, #tpu.memory_space<vmem>>, vector<16xi32>,
    %broadcast_in_dim3A_644 = arith.constant 0 : i32
    %broadcast_in_dim3A_645 = vector.broadcast %broadcast_in_dim3A_644 : i32 to vector<16xi32>
    %get3A_646 = arith.constant 0 : i32
    %get3A_647 = arith.index_cast %get3A_646 : i32 to index
    %get3A_648 = arith.constant 80 : index
    %get3A_649 = tpu.vector_load %arg9[%get3A_647, %get3A_648] {strides = array<i32>} : memref<16x128xi32, #tpu.memory_space<vmem>>, vector<16xi32>,
    %add3A_650 = arith.addi %broadcast_in_dim3A_645, %get3A_649 : vector<16xi32>
    %get3A_651 = arith.constant 1 : i32
    %get3A_652 = arith.index_cast %get3A_651 : i32 to index
    %get3A_653 = arith.constant 80 : index
    %get3A_654 = tpu.vector_load %arg9[%get3A_652, %get3A_653] {strides = array<i32>} : memref<16x128xi32, #tpu.memory_space<vmem>>, vector<16xi32>,
    %add3A_655 = arith.addi %add3A_650, %get3A_654 : vector<16xi32>
    %get3A_656 = arith.constant 2 : i32
    %get3A_657 = arith.index_cast %get3A_656 : i32 to index
    %get3A_658 = arith.constant 80 : index
    %get3A_659 = tpu.vector_load %arg9[%get3A_657, %get3A_658] {strides = array<i32>} : memref<16x128xi32, #tpu.memory_space<vmem>>, vector<16xi32>,
    %add3A_660 = arith.addi %add3A_655, %get3A_659 : vector<16xi32>
    %get3A_661 = arith.constant 3 : i32
    %get3A_662 = arith.index_cast %get3A_661 : i32 to index
    %get3A_663 = arith.constant 80 : index
    %get3A_664 = tpu.vector_load %arg9[%get3A_662, %get3A_663] {strides = array<i32>} : memref<16x128xi32, #tpu.memory_space<vmem>>, vector<16xi32>,
    %add3A_665 = arith.addi %add3A_660, %get3A_664 : vector<16xi32>
    %get3A_666 = arith.constant 4 : i32
    %get3A_667 = arith.index_cast %get3A_666 : i32 to index
    %get3A_668 = arith.constant 80 : index
    %get3A_669 = tpu.vector_load %arg9[%get3A_667, %get3A_668] {strides = array<i32>} : memref<16x128xi32, #tpu.memory_space<vmem>>, vector<16xi32>,
    %add3A_670 = arith.addi %add3A_665, %get3A_669 : vector<16xi32>
    %get3A_671 = arith.constant 5 : i32
    %get3A_672 = arith.index_cast %get3A_671 : i32 to index
    %get3A_673 = arith.constant 80 : index
    %get3A_674 = tpu.vector_load %arg9[%get3A_672, %get3A_673] {strides = array<i32>} : memref<16x128xi32, #tpu.memory_space<vmem>>, vector<16xi32>,
    %add3A_675 = arith.addi %add3A_670, %get3A_674 : vector<16xi32>
    %get3A_676 = arith.constant 6 : i32
    %get3A_677 = arith.index_cast %get3A_676 : i32 to index
    %get3A_678 = arith.constant 80 : index
    %get3A_679 = tpu.vector_load %arg9[%get3A_677, %get3A_678] {strides = array<i32>} : memref<16x128xi32, #tpu.memory_space<vmem>>, vector<16xi32>,
    %add3A_680 = arith.addi %add3A_675, %get3A_679 : vector<16xi32>
    %get3A_681 = arith.constant 7 : i32
    %get3A_682 = arith.index_cast %get3A_681 : i32 to index
    %get3A_683 = arith.constant 80 : index
    %get3A_684 = tpu.vector_load %arg9[%get3A_682, %get3A_683] {strides = array<i32>} : memref<16x128xi32, #tpu.memory_space<vmem>>, vector<16xi32>,
    %add3A_685 = arith.addi %add3A_680, %get3A_684 : vector<16xi32>
    %get3A_686 = arith.constant 8 : i32
    %get3A_687 = arith.index_cast %get3A_686 : i32 to index
    %get3A_688 = arith.constant 80 : index
    %get3A_689 = tpu.vector_load %arg9[%get3A_687, %get3A_688] {strides = array<i32>} : memref<16x128xi32, #tpu.memory_space<vmem>>, vector<16xi32>,
    %add3A_690 = arith.addi %add3A_685, %get3A_689 : vector<16xi32>
    %get3A_691 = arith.constant 9 : i32
    %get3A_692 = arith.index_cast %get3A_691 : i32 to index
    %get3A_693 = arith.constant 80 : index
    %get3A_694 = tpu.vector_load %arg9[%get3A_692, %get3A_693] {strides = array<i32>} : memref<16x128xi32, #tpu.memory_space<vmem>>, vector<16xi32>,
    %add3A_695 = arith.addi %add3A_690, %get3A_694 : vector<16xi32>
    %get3A_696 = arith.constant 10 : i32
    %get3A_697 = arith.index_cast %get3A_696 : i32 to index
    %get3A_698 = arith.constant 80 : index
    %get3A_699 = tpu.vector_load %arg9[%get3A_697, %get3A_698] {strides = array<i32>} : memref<16x128xi32, #tpu.memory_space<vmem>>, vector<16xi32>,
    %add3A_700 = arith.addi %add3A_695, %get3A_699 : vector<16xi32>
    %get3A_701 = arith.constant 11 : i32
    %get3A_702 = arith.index_cast %get3A_701 : i32 to index
    %get3A_703 = arith.constant 80 : index
    %get3A_704 = tpu.vector_load %arg9[%get3A_702, %get3A_703] {strides = array<i32>} : memref<16x128xi32, #tpu.memory_space<vmem>>, vector<16xi32>,
    %add3A_705 = arith.addi %add3A_700, %get3A_704 : vector<16xi32>
    %get3A_706 = arith.constant 12 : i32
    %get3A_707 = arith.index_cast %get3A_706 : i32 to index
    %get3A_708 = arith.constant 80 : index
    %get3A_709 = tpu.vector_load %arg9[%get3A_707, %get3A_708] {strides = array<i32>} : memref<16x128xi32, #tpu.memory_space<vmem>>, vector<16xi32>,
    %add3A_710 = arith.addi %add3A_705, %get3A_709 : vector<16xi32>
    %get3A_711 = arith.constant 13 : i32
    %get3A_712 = arith.index_cast %get3A_711 : i32 to index
    %get3A_713 = arith.constant 80 : index
    %get3A_714 = tpu.vector_load %arg9[%get3A_712, %get3A_713] {strides = array<i32>} : memref<16x128xi32, #tpu.memory_space<vmem>>, vector<16xi32>,
    %add3A_715 = arith.addi %add3A_710, %get3A_714 : vector<16xi32>
    %get3A_716 = arith.constant 14 : i32
    %get3A_717 = arith.index_cast %get3A_716 : i32 to index
    %get3A_718 = arith.constant 80 : index
    %get3A_719 = tpu.vector_load %arg9[%get3A_717, %get3A_718] {strides = array<i32>} : memref<16x128xi32, #tpu.memory_space<vmem>>, vector<16xi32>,
    %add3A_720 = arith.addi %add3A_715, %get3A_719 : vector<16xi32>
    %get3A_721 = arith.constant 15 : i32
    %get3A_722 = arith.index_cast %get3A_721 : i32 to index
    %get3A_723 = arith.constant 80 : index
    %get3A_724 = tpu.vector_load %arg9[%get3A_722, %get3A_723] {strides = array<i32>} : memref<16x128xi32, #tpu.memory_space<vmem>>, vector<16xi32>,
    %add3A_725 = arith.addi %add3A_720, %get3A_724 : vector<16xi32>
    %swap3A_726 = arith.constant 80 : index
    %swap3A_727 = tpu.vector_load %arg10[%swap3A_726] {strides = array<i32>} : memref<128xi32, #tpu.memory_space<vmem>>, vector<16xi32>,
    tpu.vector_store %arg10[%swap3A_726], %add3A_725 {strides = array<i32>} : memref<128xi32, #tpu.memory_space<vmem>>, vector<16xi32>,
    %broadcast_in_dim3A_728 = arith.constant 0 : i32
    %broadcast_in_dim3A_729 = vector.broadcast %broadcast_in_dim3A_728 : i32 to vector<16xi32>
    %get3A_730 = arith.constant 0 : i32
    %get3A_731 = arith.index_cast %get3A_730 : i32 to index
    %get3A_732 = arith.constant 96 : index
    %get3A_733 = tpu.vector_load %arg9[%get3A_731, %get3A_732] {strides = array<i32>} : memref<16x128xi32, #tpu.memory_space<vmem>>, vector<16xi32>,
    %add3A_734 = arith.addi %broadcast_in_dim3A_729, %get3A_733 : vector<16xi32>
    %get3A_735 = arith.constant 1 : i32
    %get3A_736 = arith.index_cast %get3A_735 : i32 to index
    %get3A_737 = arith.constant 96 : index
    %get3A_738 = tpu.vector_load %arg9[%get3A_736, %get3A_737] {strides = array<i32>} : memref<16x128xi32, #tpu.memory_space<vmem>>, vector<16xi32>,
    %add3A_739 = arith.addi %add3A_734, %get3A_738 : vector<16xi32>
    %get3A_740 = arith.constant 2 : i32
    %get3A_741 = arith.index_cast %get3A_740 : i32 to index
    %get3A_742 = arith.constant 96 : index
    %get3A_743 = tpu.vector_load %arg9[%get3A_741, %get3A_742] {strides = array<i32>} : memref<16x128xi32, #tpu.memory_space<vmem>>, vector<16xi32>,
    %add3A_744 = arith.addi %add3A_739, %get3A_743 : vector<16xi32>
    %get3A_745 = arith.constant 3 : i32
    %get3A_746 = arith.index_cast %get3A_745 : i32 to index
    %get3A_747 = arith.constant 96 : index
    %get3A_748 = tpu.vector_load %arg9[%get3A_746, %get3A_747] {strides = array<i32>} : memref<16x128xi32, #tpu.memory_space<vmem>>, vector<16xi32>,
    %add3A_749 = arith.addi %add3A_744, %get3A_748 : vector<16xi32>
    %get3A_750 = arith.constant 4 : i32
    %get3A_751 = arith.index_cast %get3A_750 : i32 to index
    %get3A_752 = arith.constant 96 : index
    %get3A_753 = tpu.vector_load %arg9[%get3A_751, %get3A_752] {strides = array<i32>} : memref<16x128xi32, #tpu.memory_space<vmem>>, vector<16xi32>,
    %add3A_754 = arith.addi %add3A_749, %get3A_753 : vector<16xi32>
    %get3A_755 = arith.constant 5 : i32
    %get3A_756 = arith.index_cast %get3A_755 : i32 to index
    %get3A_757 = arith.constant 96 : index
    %get3A_758 = tpu.vector_load %arg9[%get3A_756, %get3A_757] {strides = array<i32>} : memref<16x128xi32, #tpu.memory_space<vmem>>, vector<16xi32>,
    %add3A_759 = arith.addi %add3A_754, %get3A_758 : vector<16xi32>
    %get3A_760 = arith.constant 6 : i32
    %get3A_761 = arith.index_cast %get3A_760 : i32 to index
    %get3A_762 = arith.constant 96 : index
    %get3A_763 = tpu.vector_load %arg9[%get3A_761, %get3A_762] {strides = array<i32>} : memref<16x128xi32, #tpu.memory_space<vmem>>, vector<16xi32>,
    %add3A_764 = arith.addi %add3A_759, %get3A_763 : vector<16xi32>
    %get3A_765 = arith.constant 7 : i32
    %get3A_766 = arith.index_cast %get3A_765 : i32 to index
    %get3A_767 = arith.constant 96 : index
    %get3A_768 = tpu.vector_load %arg9[%get3A_766, %get3A_767] {strides = array<i32>} : memref<16x128xi32, #tpu.memory_space<vmem>>, vector<16xi32>,
    %add3A_769 = arith.addi %add3A_764, %get3A_768 : vector<16xi32>
    %get3A_770 = arith.constant 8 : i32
    %get3A_771 = arith.index_cast %get3A_770 : i32 to index
    %get3A_772 = arith.constant 96 : index
    %get3A_773 = tpu.vector_load %arg9[%get3A_771, %get3A_772] {strides = array<i32>} : memref<16x128xi32, #tpu.memory_space<vmem>>, vector<16xi32>,
    %add3A_774 = arith.addi %add3A_769, %get3A_773 : vector<16xi32>
    %get3A_775 = arith.constant 9 : i32
    %get3A_776 = arith.index_cast %get3A_775 : i32 to index
    %get3A_777 = arith.constant 96 : index
    %get3A_778 = tpu.vector_load %arg9[%get3A_776, %get3A_777] {strides = array<i32>} : memref<16x128xi32, #tpu.memory_space<vmem>>, vector<16xi32>,
    %add3A_779 = arith.addi %add3A_774, %get3A_778 : vector<16xi32>
    %get3A_780 = arith.constant 10 : i32
    %get3A_781 = arith.index_cast %get3A_780 : i32 to index
    %get3A_782 = arith.constant 96 : index
    %get3A_783 = tpu.vector_load %arg9[%get3A_781, %get3A_782] {strides = array<i32>} : memref<16x128xi32, #tpu.memory_space<vmem>>, vector<16xi32>,
    %add3A_784 = arith.addi %add3A_779, %get3A_783 : vector<16xi32>
    %get3A_785 = arith.constant 11 : i32
    %get3A_786 = arith.index_cast %get3A_785 : i32 to index
    %get3A_787 = arith.constant 96 : index
    %get3A_788 = tpu.vector_load %arg9[%get3A_786, %get3A_787] {strides = array<i32>} : memref<16x128xi32, #tpu.memory_space<vmem>>, vector<16xi32>,
    %add3A_789 = arith.addi %add3A_784, %get3A_788 : vector<16xi32>
    %get3A_790 = arith.constant 12 : i32
    %get3A_791 = arith.index_cast %get3A_790 : i32 to index
    %get3A_792 = arith.constant 96 : index
    %get3A_793 = tpu.vector_load %arg9[%get3A_791, %get3A_792] {strides = array<i32>} : memref<16x128xi32, #tpu.memory_space<vmem>>, vector<16xi32>,
    %add3A_794 = arith.addi %add3A_789, %get3A_793 : vector<16xi32>
    %get3A_795 = arith.constant 13 : i32
    %get3A_796 = arith.index_cast %get3A_795 : i32 to index
    %get3A_797 = arith.constant 96 : index
    %get3A_798 = tpu.vector_load %arg9[%get3A_796, %get3A_797] {strides = array<i32>} : memref<16x128xi32, #tpu.memory_space<vmem>>, vector<16xi32>,
    %add3A_799 = arith.addi %add3A_794, %get3A_798 : vector<16xi32>
    %get3A_800 = arith.constant 14 : i32
    %get3A_801 = arith.index_cast %get3A_800 : i32 to index
    %get3A_802 = arith.constant 96 : index
    %get3A_803 = tpu.vector_load %arg9[%get3A_801, %get3A_802] {strides = array<i32>} : memref<16x128xi32, #tpu.memory_space<vmem>>, vector<16xi32>,
    %add3A_804 = arith.addi %add3A_799, %get3A_803 : vector<16xi32>
    %get3A_805 = arith.constant 15 : i32
    %get3A_806 = arith.index_cast %get3A_805 : i32 to index
    %get3A_807 = arith.constant 96 : index
    %get3A_808 = tpu.vector_load %arg9[%get3A_806, %get3A_807] {strides = array<i32>} : memref<16x128xi32, #tpu.memory_space<vmem>>, vector<16xi32>,
    %add3A_809 = arith.addi %add3A_804, %get3A_808 : vector<16xi32>
    %swap3A_810 = arith.constant 96 : index
    %swap3A_811 = tpu.vector_load %arg10[%swap3A_810] {strides = array<i32>} : memref<128xi32, #tpu.memory_space<vmem>>, vector<16xi32>,
    tpu.vector_store %arg10[%swap3A_810], %add3A_809 {strides = array<i32>} : memref<128xi32, #tpu.memory_space<vmem>>, vector<16xi32>,
    %broadcast_in_dim3A_812 = arith.constant 0 : i32
    %broadcast_in_dim3A_813 = vector.broadcast %broadcast_in_dim3A_812 : i32 to vector<16xi32>
    %get3A_814 = arith.constant 0 : i32
    %get3A_815 = arith.index_cast %get3A_814 : i32 to index
    %get3A_816 = arith.constant 112 : index
    %get3A_817 = tpu.vector_load %arg9[%get3A_815, %get3A_816] {strides = array<i32>} : memref<16x128xi32, #tpu.memory_space<vmem>>, vector<16xi32>,
    %add3A_818 = arith.addi %broadcast_in_dim3A_813, %get3A_817 : vector<16xi32>
    %get3A_819 = arith.constant 1 : i32
    %get3A_820 = arith.index_cast %get3A_819 : i32 to index
    %get3A_821 = arith.constant 112 : index
    %get3A_822 = tpu.vector_load %arg9[%get3A_820, %get3A_821] {strides = array<i32>} : memref<16x128xi32, #tpu.memory_space<vmem>>, vector<16xi32>,
    %add3A_823 = arith.addi %add3A_818, %get3A_822 : vector<16xi32>
    %get3A_824 = arith.constant 2 : i32
    %get3A_825 = arith.index_cast %get3A_824 : i32 to index
    %get3A_826 = arith.constant 112 : index
    %get3A_827 = tpu.vector_load %arg9[%get3A_825, %get3A_826] {strides = array<i32>} : memref<16x128xi32, #tpu.memory_space<vmem>>, vector<16xi32>,
    %add3A_828 = arith.addi %add3A_823, %get3A_827 : vector<16xi32>
    %get3A_829 = arith.constant 3 : i32
    %get3A_830 = arith.index_cast %get3A_829 : i32 to index
    %get3A_831 = arith.constant 112 : index
    %get3A_832 = tpu.vector_load %arg9[%get3A_830, %get3A_831] {strides = array<i32>} : memref<16x128xi32, #tpu.memory_space<vmem>>, vector<16xi32>,
    %add3A_833 = arith.addi %add3A_828, %get3A_832 : vector<16xi32>
    %get3A_834 = arith.constant 4 : i32
    %get3A_835 = arith.index_cast %get3A_834 : i32 to index
    %get3A_836 = arith.constant 112 : index
    %get3A_837 = tpu.vector_load %arg9[%get3A_835, %get3A_836] {strides = array<i32>} : memref<16x128xi32, #tpu.memory_space<vmem>>, vector<16xi32>,
    %add3A_838 = arith.addi %add3A_833, %get3A_837 : vector<16xi32>
    %get3A_839 = arith.constant 5 : i32
    %get3A_840 = arith.index_cast %get3A_839 : i32 to index
    %get3A_841 = arith.constant 112 : index
    %get3A_842 = tpu.vector_load %arg9[%get3A_840, %get3A_841] {strides = array<i32>} : memref<16x128xi32, #tpu.memory_space<vmem>>, vector<16xi32>,
    %add3A_843 = arith.addi %add3A_838, %get3A_842 : vector<16xi32>
    %get3A_844 = arith.constant 6 : i32
    %get3A_845 = arith.index_cast %get3A_844 : i32 to index
    %get3A_846 = arith.constant 112 : index
    %get3A_847 = tpu.vector_load %arg9[%get3A_845, %get3A_846] {strides = array<i32>} : memref<16x128xi32, #tpu.memory_space<vmem>>, vector<16xi32>,
    %add3A_848 = arith.addi %add3A_843, %get3A_847 : vector<16xi32>
    %get3A_849 = arith.constant 7 : i32
    %get3A_850 = arith.index_cast %get3A_849 : i32 to index
    %get3A_851 = arith.constant 112 : index
    %get3A_852 = tpu.vector_load %arg9[%get3A_850, %get3A_851] {strides = array<i32>} : memref<16x128xi32, #tpu.memory_space<vmem>>, vector<16xi32>,
    %add3A_853 = arith.addi %add3A_848, %get3A_852 : vector<16xi32>
    %get3A_854 = arith.constant 8 : i32
    %get3A_855 = arith.index_cast %get3A_854 : i32 to index
    %get3A_856 = arith.constant 112 : index
    %get3A_857 = tpu.vector_load %arg9[%get3A_855, %get3A_856] {strides = array<i32>} : memref<16x128xi32, #tpu.memory_space<vmem>>, vector<16xi32>,
    %add3A_858 = arith.addi %add3A_853, %get3A_857 : vector<16xi32>
    %get3A_859 = arith.constant 9 : i32
    %get3A_860 = arith.index_cast %get3A_859 : i32 to index
    %get3A_861 = arith.constant 112 : index
    %get3A_862 = tpu.vector_load %arg9[%get3A_860, %get3A_861] {strides = array<i32>} : memref<16x128xi32, #tpu.memory_space<vmem>>, vector<16xi32>,
    %add3A_863 = arith.addi %add3A_858, %get3A_862 : vector<16xi32>
    %get3A_864 = arith.constant 10 : i32
    %get3A_865 = arith.index_cast %get3A_864 : i32 to index
    %get3A_866 = arith.constant 112 : index
    %get3A_867 = tpu.vector_load %arg9[%get3A_865, %get3A_866] {strides = array<i32>} : memref<16x128xi32, #tpu.memory_space<vmem>>, vector<16xi32>,
    %add3A_868 = arith.addi %add3A_863, %get3A_867 : vector<16xi32>
    %get3A_869 = arith.constant 11 : i32
    %get3A_870 = arith.index_cast %get3A_869 : i32 to index
    %get3A_871 = arith.constant 112 : index
    %get3A_872 = tpu.vector_load %arg9[%get3A_870, %get3A_871] {strides = array<i32>} : memref<16x128xi32, #tpu.memory_space<vmem>>, vector<16xi32>,
    %add3A_873 = arith.addi %add3A_868, %get3A_872 : vector<16xi32>
    %get3A_874 = arith.constant 12 : i32
    %get3A_875 = arith.index_cast %get3A_874 : i32 to index
    %get3A_876 = arith.constant 112 : index
    %get3A_877 = tpu.vector_load %arg9[%get3A_875, %get3A_876] {strides = array<i32>} : memref<16x128xi32, #tpu.memory_space<vmem>>, vector<16xi32>,
    %add3A_878 = arith.addi %add3A_873, %get3A_877 : vector<16xi32>
    %get3A_879 = arith.constant 13 : i32
    %get3A_880 = arith.index_cast %get3A_879 : i32 to index
    %get3A_881 = arith.constant 112 : index
    %get3A_882 = tpu.vector_load %arg9[%get3A_880, %get3A_881] {strides = array<i32>} : memref<16x128xi32, #tpu.memory_space<vmem>>, vector<16xi32>,
    %add3A_883 = arith.addi %add3A_878, %get3A_882 : vector<16xi32>
    %get3A_884 = arith.constant 14 : i32
    %get3A_885 = arith.index_cast %get3A_884 : i32 to index
    %get3A_886 = arith.constant 112 : index
    %get3A_887 = tpu.vector_load %arg9[%get3A_885, %get3A_886] {strides = array<i32>} : memref<16x128xi32, #tpu.memory_space<vmem>>, vector<16xi32>,
    %add3A_888 = arith.addi %add3A_883, %get3A_887 : vector<16xi32>
    %get3A_889 = arith.constant 15 : i32
    %get3A_890 = arith.index_cast %get3A_889 : i32 to index
    %get3A_891 = arith.constant 112 : index
    %get3A_892 = tpu.vector_load %arg9[%get3A_890, %get3A_891] {strides = array<i32>} : memref<16x128xi32, #tpu.memory_space<vmem>>, vector<16xi32>,
    %add3A_893 = arith.addi %add3A_888, %get3A_892 : vector<16xi32>
    %swap3A_894 = arith.constant 112 : index
    %swap3A_895 = tpu.vector_load %arg10[%swap3A_894] {strides = array<i32>} : memref<128xi32, #tpu.memory_space<vmem>>, vector<16xi32>,
    tpu.vector_store %arg10[%swap3A_894], %add3A_893 {strides = array<i32>} : memref<128xi32, #tpu.memory_space<vmem>>, vector<16xi32>,
    %jit3A_896 = arith.constant 2 : i32
    %eq3A = arith.constant 0 : i32
    %eq3A_897 = arith.cmpi eq, %jit3A_896, %eq3A : i32
    %jit3A_898 = arith.constant 1 : i32
    %select_n3A_899 = arith.select %eq3A_897, %jit3A_898, %jit3A_896 : i32
    %rem3A_900 = arith.remsi %add3A, %select_n3A_899 : i32
    %ne3A_901 = arith.constant 0 : i32
    %ne3A_902 = arith.cmpi ne, %rem3A_900, %ne3A_901 : i32
    %lt3A = arith.constant 0 : i32
    %lt3A_903 = arith.cmpi slt, %rem3A_900, %lt3A : i32
    %lt3A_904 = arith.constant 0 : i32
    %lt3A_905 = arith.cmpi slt, %select_n3A_899, %lt3A_904 : i32
    %ne3A_906 = arith.xori %lt3A_903, %lt3A_905 : i1
    %and3A_907 = arith.andi %ne3A_906, %ne3A_902 : i1
    %add3A_908 = arith.addi %rem3A_900, %select_n3A_899 : i32
    %select_n3A_909 = arith.select %and3A_907, %add3A_908, %rem3A_900 : i32
    %mul3A_910 = arith.constant 64 : i32
    %mul3A_911 = arith.muli %select_n3A_909, %mul3A_910 : i32
    %sub3A_912 = arith.constant 1992 : i32
    %sub3A_913 = arith.subi %sub3A_912, %mul3A_204 : i32
    %min3A_914 = arith.constant 0 : i32
    %min3A_915 = arith.minsi %min3A_914, %sub3A_913 : i32
    %min3A_916 = arith.constant 8 : i32
    %min3A_917 = arith.minsi %min3A_916, %sub3A_913 : i32
    %min3A_918 = arith.constant 16 : i32
    %min3A_919 = arith.minsi %min3A_918, %sub3A_913 : i32
    %min3A_920 = arith.constant 24 : i32
    %min3A_921 = arith.minsi %min3A_920, %sub3A_913 : i32
    %min3A_922 = arith.constant 32 : i32
    %min3A_923 = arith.minsi %min3A_922, %sub3A_913 : i32
    %min3A_924 = arith.constant 40 : i32
    %min3A_925 = arith.minsi %min3A_924, %sub3A_913 : i32
    %min3A_926 = arith.constant 48 : i32
    %min3A_927 = arith.minsi %min3A_926, %sub3A_913 : i32
    %min3A_928 = arith.constant 56 : i32
    %min3A_929 = arith.minsi %min3A_928, %sub3A_913 : i32
    %add3A_930 = arith.addi %mul3A_911, %min3A_915 : i32
    %dma_start3A = tpu.memref_slice %arg10[%add3A_930] : memref<128xi32, #tpu.memory_space<vmem>> -> memref<8xi32, #tpu.memory_space<vmem>>
    %dma_start3A_931 = arith.constant 0 : i32
    %dma_start3A_932 = arith.constant 0 : i32
    %dma_start3A_933 = tpu.memref_slice %arg2[%dma_start3A_931, %dma_start3A_932] : memref<20000x4096xf32, #tpu.memory_space<hbm>> -> memref<20000x4096xf32, #tpu.memory_space<hbm>>
    tpu.enqueue_indirect_dma source(%dma_start3A_933 : memref<20000x4096xf32, #tpu.memory_space<hbm>>) target(%arg11 : memref<8x4096xf32, #tpu.memory_space<vmem>>) offsets(%dma_start3A : memref<8xi32, #tpu.memory_space<vmem>>) semaphore(%arg16 : memref<!tpu.dma_semaphore, #tpu.memory_space<semaphore_mem>>)
    %add3A_934 = arith.addi %mul3A_911, %min3A_917 : i32
    %dma_start3A_935 = tpu.memref_slice %arg10[%add3A_934] : memref<128xi32, #tpu.memory_space<vmem>> -> memref<8xi32, #tpu.memory_space<vmem>>
    %dma_start3A_936 = arith.constant 0 : i32
    %dma_start3A_937 = arith.constant 0 : i32
    %dma_start3A_938 = tpu.memref_slice %arg2[%dma_start3A_936, %dma_start3A_937] : memref<20000x4096xf32, #tpu.memory_space<hbm>> -> memref<20000x4096xf32, #tpu.memory_space<hbm>>
    tpu.enqueue_indirect_dma source(%dma_start3A_938 : memref<20000x4096xf32, #tpu.memory_space<hbm>>) target(%arg12 : memref<8x4096xf32, #tpu.memory_space<vmem>>) offsets(%dma_start3A_935 : memref<8xi32, #tpu.memory_space<vmem>>) semaphore(%arg17 : memref<!tpu.dma_semaphore, #tpu.memory_space<semaphore_mem>>)
    %dma_wait3A = tpu.memref_slice %arg10[%add3A_930] : memref<128xi32, #tpu.memory_space<vmem>> -> memref<8xi32, #tpu.memory_space<vmem>>
    %dma_wait3A_939 = arith.constant 0 : i32
    %dma_wait3A_940 = arith.constant 0 : i32
    %dma_wait3A_941 = tpu.memref_slice %arg2[%dma_wait3A_939, %dma_wait3A_940] : memref<20000x4096xf32, #tpu.memory_space<hbm>> -> memref<20000x4096xf32, #tpu.memory_space<hbm>>
    tpu.wait_indirect_dma semaphore(%arg16 : memref<!tpu.dma_semaphore, #tpu.memory_space<semaphore_mem>>) src(%dma_wait3A_941 : memref<20000x4096xf32, #tpu.memory_space<hbm>>) dst(%arg11 : memref<8x4096xf32, #tpu.memory_space<vmem>>)
    %add3A_942 = arith.addi %mul3A_911, %min3A_919 : i32
    %dma_start3A_943 = tpu.memref_slice %arg10[%add3A_942] : memref<128xi32, #tpu.memory_space<vmem>> -> memref<8xi32, #tpu.memory_space<vmem>>
    %dma_start3A_944 = arith.constant 0 : i32
    %dma_start3A_945 = arith.constant 0 : i32
    %dma_start3A_946 = tpu.memref_slice %arg2[%dma_start3A_944, %dma_start3A_945] : memref<20000x4096xf32, #tpu.memory_space<hbm>> -> memref<20000x4096xf32, #tpu.memory_space<hbm>>
    tpu.enqueue_indirect_dma source(%dma_start3A_946 : memref<20000x4096xf32, #tpu.memory_space<hbm>>) target(%arg13 : memref<8x4096xf32, #tpu.memory_space<vmem>>) offsets(%dma_start3A_943 : memref<8xi32, #tpu.memory_space<vmem>>) semaphore(%arg18 : memref<!tpu.dma_semaphore, #tpu.memory_space<semaphore_mem>>)
    %add3A_947 = arith.addi %mul3A_204, %min3A_915 : i32
    %dma_start3A_948 = arith.constant 0 : i32
    %dma_start3A_949 = tpu.memref_slice %arg4[%add3A_947, %dma_start3A_948] : memref<2000x4096xf32, #tpu.memory_space<hbm>> -> memref<8x4096xf32, #tpu.memory_space<hbm>>
    %dma_start3A_950 = arith.constant 0 : i32
    %dma_start3A_951 = tpu.memref_slice %arg4[%add3A_947, %dma_start3A_950] : memref<2000x4096xf32, #tpu.memory_space<hbm>> -> memref<8x4096xf32, #tpu.memory_space<hbm>>
    tpu.enqueue_dma source(%arg11 : memref<8x4096xf32, #tpu.memory_space<vmem>>) target(%dma_start3A_951 : memref<8x4096xf32, #tpu.memory_space<hbm>>) target_semaphore(%arg19 : memref<!tpu.dma_semaphore, #tpu.memory_space<semaphore_mem>>)
    %dma_wait3A_952 = tpu.memref_slice %arg10[%add3A_934] : memref<128xi32, #tpu.memory_space<vmem>> -> memref<8xi32, #tpu.memory_space<vmem>>
    %dma_wait3A_953 = arith.constant 0 : i32
    %dma_wait3A_954 = arith.constant 0 : i32
    %dma_wait3A_955 = tpu.memref_slice %arg2[%dma_wait3A_953, %dma_wait3A_954] : memref<20000x4096xf32, #tpu.memory_space<hbm>> -> memref<20000x4096xf32, #tpu.memory_space<hbm>>
    tpu.wait_indirect_dma semaphore(%arg17 : memref<!tpu.dma_semaphore, #tpu.memory_space<semaphore_mem>>) src(%dma_wait3A_955 : memref<20000x4096xf32, #tpu.memory_space<hbm>>) dst(%arg12 : memref<8x4096xf32, #tpu.memory_space<vmem>>)
    %dma_wait3A_956 = arith.constant 0 : i32
    %dma_wait3A_957 = tpu.memref_slice %arg4[%add3A_947, %dma_wait3A_956] : memref<2000x4096xf32, #tpu.memory_space<hbm>> -> memref<8x4096xf32, #tpu.memory_space<hbm>>
    %dma_wait3A_958 = arith.constant 0 : i32
    %dma_wait3A_959 = tpu.memref_slice %arg4[%add3A_947, %dma_wait3A_958] : memref<2000x4096xf32, #tpu.memory_space<hbm>> -> memref<8x4096xf32, #tpu.memory_space<hbm>>
    tpu.wait_dma2 semaphore(%arg19 : memref<!tpu.dma_semaphore, #tpu.memory_space<semaphore_mem>>) src(%arg11 : memref<8x4096xf32, #tpu.memory_space<vmem>>) dst(%dma_wait3A_959 : memref<8x4096xf32, #tpu.memory_space<hbm>>)
    %add3A_960 = arith.addi %mul3A_911, %min3A_921 : i32
    %dma_start3A_961 = tpu.memref_slice %arg10[%add3A_960] : memref<128xi32, #tpu.memory_space<vmem>> -> memref<8xi32, #tpu.memory_space<vmem>>
    %dma_start3A_962 = arith.constant 0 : i32
    %dma_start3A_963 = arith.constant 0 : i32
    %dma_start3A_964 = tpu.memref_slice %arg2[%dma_start3A_962, %dma_start3A_963] : memref<20000x4096xf32, #tpu.memory_space<hbm>> -> memref<20000x4096xf32, #tpu.memory_space<hbm>>
    tpu.enqueue_indirect_dma source(%dma_start3A_964 : memref<20000x4096xf32, #tpu.memory_space<hbm>>) target(%arg11 : memref<8x4096xf32, #tpu.memory_space<vmem>>) offsets(%dma_start3A_961 : memref<8xi32, #tpu.memory_space<vmem>>) semaphore(%arg16 : memref<!tpu.dma_semaphore, #tpu.memory_space<semaphore_mem>>)
    %add3A_965 = arith.addi %mul3A_204, %min3A_917 : i32
    %dma_start3A_966 = arith.constant 0 : i32
    %dma_start3A_967 = tpu.memref_slice %arg4[%add3A_965, %dma_start3A_966] : memref<2000x4096xf32, #tpu.memory_space<hbm>> -> memref<8x4096xf32, #tpu.memory_space<hbm>>
    %dma_start3A_968 = arith.constant 0 : i32
    %dma_start3A_969 = tpu.memref_slice %arg4[%add3A_965, %dma_start3A_968] : memref<2000x4096xf32, #tpu.memory_space<hbm>> -> memref<8x4096xf32, #tpu.memory_space<hbm>>
    tpu.enqueue_dma source(%arg12 : memref<8x4096xf32, #tpu.memory_space<vmem>>) target(%dma_start3A_969 : memref<8x4096xf32, #tpu.memory_space<hbm>>) target_semaphore(%arg20 : memref<!tpu.dma_semaphore, #tpu.memory_space<semaphore_mem>>)
    %dma_wait3A_970 = tpu.memref_slice %arg10[%add3A_942] : memref<128xi32, #tpu.memory_space<vmem>> -> memref<8xi32, #tpu.memory_space<vmem>>
    %dma_wait3A_971 = arith.constant 0 : i32
    %dma_wait3A_972 = arith.constant 0 : i32
    %dma_wait3A_973 = tpu.memref_slice %arg2[%dma_wait3A_971, %dma_wait3A_972] : memref<20000x4096xf32, #tpu.memory_space<hbm>> -> memref<20000x4096xf32, #tpu.memory_space<hbm>>
    tpu.wait_indirect_dma semaphore(%arg18 : memref<!tpu.dma_semaphore, #tpu.memory_space<semaphore_mem>>) src(%dma_wait3A_973 : memref<20000x4096xf32, #tpu.memory_space<hbm>>) dst(%arg13 : memref<8x4096xf32, #tpu.memory_space<vmem>>)
    %dma_wait3A_974 = arith.constant 0 : i32
    %dma_wait3A_975 = tpu.memref_slice %arg4[%add3A_965, %dma_wait3A_974] : memref<2000x4096xf32, #tpu.memory_space<hbm>> -> memref<8x4096xf32, #tpu.memory_space<hbm>>
    %dma_wait3A_976 = arith.constant 0 : i32
    %dma_wait3A_977 = tpu.memref_slice %arg4[%add3A_965, %dma_wait3A_976] : memref<2000x4096xf32, #tpu.memory_space<hbm>> -> memref<8x4096xf32, #tpu.memory_space<hbm>>
    tpu.wait_dma2 semaphore(%arg20 : memref<!tpu.dma_semaphore, #tpu.memory_space<semaphore_mem>>) src(%arg12 : memref<8x4096xf32, #tpu.memory_space<vmem>>) dst(%dma_wait3A_977 : memref<8x4096xf32, #tpu.memory_space<hbm>>)
    %add3A_978 = arith.addi %mul3A_911, %min3A_923 : i32
    %dma_start3A_979 = tpu.memref_slice %arg10[%add3A_978] : memref<128xi32, #tpu.memory_space<vmem>> -> memref<8xi32, #tpu.memory_space<vmem>>
    %dma_start3A_980 = arith.constant 0 : i32
    %dma_start3A_981 = arith.constant 0 : i32
    %dma_start3A_982 = tpu.memref_slice %arg2[%dma_start3A_980, %dma_start3A_981] : memref<20000x4096xf32, #tpu.memory_space<hbm>> -> memref<20000x4096xf32, #tpu.memory_space<hbm>>
    tpu.enqueue_indirect_dma source(%dma_start3A_982 : memref<20000x4096xf32, #tpu.memory_space<hbm>>) target(%arg12 : memref<8x4096xf32, #tpu.memory_space<vmem>>) offsets(%dma_start3A_979 : memref<8xi32, #tpu.memory_space<vmem>>) semaphore(%arg17 : memref<!tpu.dma_semaphore, #tpu.memory_space<semaphore_mem>>)
    %add3A_983 = arith.addi %mul3A_204, %min3A_919 : i32
    %dma_start3A_984 = arith.constant 0 : i32
    %dma_start3A_985 = tpu.memref_slice %arg4[%add3A_983, %dma_start3A_984] : memref<2000x4096xf32, #tpu.memory_space<hbm>> -> memref<8x4096xf32, #tpu.memory_space<hbm>>
    %dma_start3A_986 = arith.constant 0 : i32
    %dma_start3A_987 = tpu.memref_slice %arg4[%add3A_983, %dma_start3A_986] : memref<2000x4096xf32, #tpu.memory_space<hbm>> -> memref<8x4096xf32, #tpu.memory_space<hbm>>
    tpu.enqueue_dma source(%arg13 : memref<8x4096xf32, #tpu.memory_space<vmem>>) target(%dma_start3A_987 : memref<8x4096xf32, #tpu.memory_space<hbm>>) target_semaphore(%arg21 : memref<!tpu.dma_semaphore, #tpu.memory_space<semaphore_mem>>)
    %dma_wait3A_988 = tpu.memref_slice %arg10[%add3A_960] : memref<128xi32, #tpu.memory_space<vmem>> -> memref<8xi32, #tpu.memory_space<vmem>>
    %dma_wait3A_989 = arith.constant 0 : i32
    %dma_wait3A_990 = arith.constant 0 : i32
    %dma_wait3A_991 = tpu.memref_slice %arg2[%dma_wait3A_989, %dma_wait3A_990] : memref<20000x4096xf32, #tpu.memory_space<hbm>> -> memref<20000x4096xf32, #tpu.memory_space<hbm>>
    tpu.wait_indirect_dma semaphore(%arg16 : memref<!tpu.dma_semaphore, #tpu.memory_space<semaphore_mem>>) src(%dma_wait3A_991 : memref<20000x4096xf32, #tpu.memory_space<hbm>>) dst(%arg11 : memref<8x4096xf32, #tpu.memory_space<vmem>>)
    %dma_wait3A_992 = arith.constant 0 : i32
    %dma_wait3A_993 = tpu.memref_slice %arg4[%add3A_983, %dma_wait3A_992] : memref<2000x4096xf32, #tpu.memory_space<hbm>> -> memref<8x4096xf32, #tpu.memory_space<hbm>>
    %dma_wait3A_994 = arith.constant 0 : i32
    %dma_wait3A_995 = tpu.memref_slice %arg4[%add3A_983, %dma_wait3A_994] : memref<2000x4096xf32, #tpu.memory_space<hbm>> -> memref<8x4096xf32, #tpu.memory_space<hbm>>
    tpu.wait_dma2 semaphore(%arg21 : memref<!tpu.dma_semaphore, #tpu.memory_space<semaphore_mem>>) src(%arg13 : memref<8x4096xf32, #tpu.memory_space<vmem>>) dst(%dma_wait3A_995 : memref<8x4096xf32, #tpu.memory_space<hbm>>)
    %add3A_996 = arith.addi %mul3A_911, %min3A_925 : i32
    %dma_start3A_997 = tpu.memref_slice %arg10[%add3A_996] : memref<128xi32, #tpu.memory_space<vmem>> -> memref<8xi32, #tpu.memory_space<vmem>>
    %dma_start3A_998 = arith.constant 0 : i32
    %dma_start3A_999 = arith.constant 0 : i32
    %dma_start3A_1000 = tpu.memref_slice %arg2[%dma_start3A_998, %dma_start3A_999] : memref<20000x4096xf32, #tpu.memory_space<hbm>> -> memref<20000x4096xf32, #tpu.memory_space<hbm>>
    tpu.enqueue_indirect_dma source(%dma_start3A_1000 : memref<20000x4096xf32, #tpu.memory_space<hbm>>) target(%arg13 : memref<8x4096xf32, #tpu.memory_space<vmem>>) offsets(%dma_start3A_997 : memref<8xi32, #tpu.memory_space<vmem>>) semaphore(%arg18 : memref<!tpu.dma_semaphore, #tpu.memory_space<semaphore_mem>>)
    %add3A_1001 = arith.addi %mul3A_204, %min3A_921 : i32
    %dma_start3A_1002 = arith.constant 0 : i32
    %dma_start3A_1003 = tpu.memref_slice %arg4[%add3A_1001, %dma_start3A_1002] : memref<2000x4096xf32, #tpu.memory_space<hbm>> -> memref<8x4096xf32, #tpu.memory_space<hbm>>
    %dma_start3A_1004 = arith.constant 0 : i32
    %dma_start3A_1005 = tpu.memref_slice %arg4[%add3A_1001, %dma_start3A_1004] : memref<2000x4096xf32, #tpu.memory_space<hbm>> -> memref<8x4096xf32, #tpu.memory_space<hbm>>
    tpu.enqueue_dma source(%arg11 : memref<8x4096xf32, #tpu.memory_space<vmem>>) target(%dma_start3A_1005 : memref<8x4096xf32, #tpu.memory_space<hbm>>) target_semaphore(%arg19 : memref<!tpu.dma_semaphore, #tpu.memory_space<semaphore_mem>>)
    %dma_wait3A_1006 = tpu.memref_slice %arg10[%add3A_978] : memref<128xi32, #tpu.memory_space<vmem>> -> memref<8xi32, #tpu.memory_space<vmem>>
    %dma_wait3A_1007 = arith.constant 0 : i32
    %dma_wait3A_1008 = arith.constant 0 : i32
    %dma_wait3A_1009 = tpu.memref_slice %arg2[%dma_wait3A_1007, %dma_wait3A_1008] : memref<20000x4096xf32, #tpu.memory_space<hbm>> -> memref<20000x4096xf32, #tpu.memory_space<hbm>>
    tpu.wait_indirect_dma semaphore(%arg17 : memref<!tpu.dma_semaphore, #tpu.memory_space<semaphore_mem>>) src(%dma_wait3A_1009 : memref<20000x4096xf32, #tpu.memory_space<hbm>>) dst(%arg12 : memref<8x4096xf32, #tpu.memory_space<vmem>>)
    %dma_wait3A_1010 = arith.constant 0 : i32
    %dma_wait3A_1011 = tpu.memref_slice %arg4[%add3A_1001, %dma_wait3A_1010] : memref<2000x4096xf32, #tpu.memory_space<hbm>> -> memref<8x4096xf32, #tpu.memory_space<hbm>>
    %dma_wait3A_1012 = arith.constant 0 : i32
    %dma_wait3A_1013 = tpu.memref_slice %arg4[%add3A_1001, %dma_wait3A_1012] : memref<2000x4096xf32, #tpu.memory_space<hbm>> -> memref<8x4096xf32, #tpu.memory_space<hbm>>
    tpu.wait_dma2 semaphore(%arg19 : memref<!tpu.dma_semaphore, #tpu.memory_space<semaphore_mem>>) src(%arg11 : memref<8x4096xf32, #tpu.memory_space<vmem>>) dst(%dma_wait3A_1013 : memref<8x4096xf32, #tpu.memory_space<hbm>>)
    %add3A_1014 = arith.addi %mul3A_911, %min3A_927 : i32
    %dma_start3A_1015 = tpu.memref_slice %arg10[%add3A_1014] : memref<128xi32, #tpu.memory_space<vmem>> -> memref<8xi32, #tpu.memory_space<vmem>>
    %dma_start3A_1016 = arith.constant 0 : i32
    %dma_start3A_1017 = arith.constant 0 : i32
    %dma_start3A_1018 = tpu.memref_slice %arg2[%dma_start3A_1016, %dma_start3A_1017] : memref<20000x4096xf32, #tpu.memory_space<hbm>> -> memref<20000x4096xf32, #tpu.memory_space<hbm>>
    tpu.enqueue_indirect_dma source(%dma_start3A_1018 : memref<20000x4096xf32, #tpu.memory_space<hbm>>) target(%arg11 : memref<8x4096xf32, #tpu.memory_space<vmem>>) offsets(%dma_start3A_1015 : memref<8xi32, #tpu.memory_space<vmem>>) semaphore(%arg16 : memref<!tpu.dma_semaphore, #tpu.memory_space<semaphore_mem>>)
    %add3A_1019 = arith.addi %mul3A_204, %min3A_923 : i32
    %dma_start3A_1020 = arith.constant 0 : i32
    %dma_start3A_1021 = tpu.memref_slice %arg4[%add3A_1019, %dma_start3A_1020] : memref<2000x4096xf32, #tpu.memory_space<hbm>> -> memref<8x4096xf32, #tpu.memory_space<hbm>>
    %dma_start3A_1022 = arith.constant 0 : i32
    %dma_start3A_1023 = tpu.memref_slice %arg4[%add3A_1019, %dma_start3A_1022] : memref<2000x4096xf32, #tpu.memory_space<hbm>> -> memref<8x4096xf32, #tpu.memory_space<hbm>>
    tpu.enqueue_dma source(%arg12 : memref<8x4096xf32, #tpu.memory_space<vmem>>) target(%dma_start3A_1023 : memref<8x4096xf32, #tpu.memory_space<hbm>>) target_semaphore(%arg20 : memref<!tpu.dma_semaphore, #tpu.memory_space<semaphore_mem>>)
    %dma_wait3A_1024 = tpu.memref_slice %arg10[%add3A_996] : memref<128xi32, #tpu.memory_space<vmem>> -> memref<8xi32, #tpu.memory_space<vmem>>
    %dma_wait3A_1025 = arith.constant 0 : i32
    %dma_wait3A_1026 = arith.constant 0 : i32
    %dma_wait3A_1027 = tpu.memref_slice %arg2[%dma_wait3A_1025, %dma_wait3A_1026] : memref<20000x4096xf32, #tpu.memory_space<hbm>> -> memref<20000x4096xf32, #tpu.memory_space<hbm>>
    tpu.wait_indirect_dma semaphore(%arg18 : memref<!tpu.dma_semaphore, #tpu.memory_space<semaphore_mem>>) src(%dma_wait3A_1027 : memref<20000x4096xf32, #tpu.memory_space<hbm>>) dst(%arg13 : memref<8x4096xf32, #tpu.memory_space<vmem>>)
    %dma_wait3A_1028 = arith.constant 0 : i32
    %dma_wait3A_1029 = tpu.memref_slice %arg4[%add3A_1019, %dma_wait3A_1028] : memref<2000x4096xf32, #tpu.memory_space<hbm>> -> memref<8x4096xf32, #tpu.memory_space<hbm>>
    %dma_wait3A_1030 = arith.constant 0 : i32
    %dma_wait3A_1031 = tpu.memref_slice %arg4[%add3A_1019, %dma_wait3A_1030] : memref<2000x4096xf32, #tpu.memory_space<hbm>> -> memref<8x4096xf32, #tpu.memory_space<hbm>>
    tpu.wait_dma2 semaphore(%arg20 : memref<!tpu.dma_semaphore, #tpu.memory_space<semaphore_mem>>) src(%arg12 : memref<8x4096xf32, #tpu.memory_space<vmem>>) dst(%dma_wait3A_1031 : memref<8x4096xf32, #tpu.memory_space<hbm>>)
    %add3A_1032 = arith.addi %mul3A_911, %min3A_929 : i32
    %dma_start3A_1033 = tpu.memref_slice %arg10[%add3A_1032] : memref<128xi32, #tpu.memory_space<vmem>> -> memref<8xi32, #tpu.memory_space<vmem>>
    %dma_start3A_1034 = arith.constant 0 : i32
    %dma_start3A_1035 = arith.constant 0 : i32
    %dma_start3A_1036 = tpu.memref_slice %arg2[%dma_start3A_1034, %dma_start3A_1035] : memref<20000x4096xf32, #tpu.memory_space<hbm>> -> memref<20000x4096xf32, #tpu.memory_space<hbm>>
    tpu.enqueue_indirect_dma source(%dma_start3A_1036 : memref<20000x4096xf32, #tpu.memory_space<hbm>>) target(%arg12 : memref<8x4096xf32, #tpu.memory_space<vmem>>) offsets(%dma_start3A_1033 : memref<8xi32, #tpu.memory_space<vmem>>) semaphore(%arg17 : memref<!tpu.dma_semaphore, #tpu.memory_space<semaphore_mem>>)
    %add3A_1037 = arith.addi %mul3A_204, %min3A_925 : i32
    %dma_start3A_1038 = arith.constant 0 : i32
    %dma_start3A_1039 = tpu.memref_slice %arg4[%add3A_1037, %dma_start3A_1038] : memref<2000x4096xf32, #tpu.memory_space<hbm>> -> memref<8x4096xf32, #tpu.memory_space<hbm>>
    %dma_start3A_1040 = arith.constant 0 : i32
    %dma_start3A_1041 = tpu.memref_slice %arg4[%add3A_1037, %dma_start3A_1040] : memref<2000x4096xf32, #tpu.memory_space<hbm>> -> memref<8x4096xf32, #tpu.memory_space<hbm>>
    tpu.enqueue_dma source(%arg13 : memref<8x4096xf32, #tpu.memory_space<vmem>>) target(%dma_start3A_1041 : memref<8x4096xf32, #tpu.memory_space<hbm>>) target_semaphore(%arg21 : memref<!tpu.dma_semaphore, #tpu.memory_space<semaphore_mem>>)
    %dma_wait3A_1042 = tpu.memref_slice %arg10[%add3A_1014] : memref<128xi32, #tpu.memory_space<vmem>> -> memref<8xi32, #tpu.memory_space<vmem>>
    %dma_wait3A_1043 = arith.constant 0 : i32
    %dma_wait3A_1044 = arith.constant 0 : i32
    %dma_wait3A_1045 = tpu.memref_slice %arg2[%dma_wait3A_1043, %dma_wait3A_1044] : memref<20000x4096xf32, #tpu.memory_space<hbm>> -> memref<20000x4096xf32, #tpu.memory_space<hbm>>
    tpu.wait_indirect_dma semaphore(%arg16 : memref<!tpu.dma_semaphore, #tpu.memory_space<semaphore_mem>>) src(%dma_wait3A_1045 : memref<20000x4096xf32, #tpu.memory_space<hbm>>) dst(%arg11 : memref<8x4096xf32, #tpu.memory_space<vmem>>)
    %add3A_1046 = arith.addi %mul3A_204, %min3A_927 : i32
    %dma_start3A_1047 = arith.constant 0 : i32
    %dma_start3A_1048 = tpu.memref_slice %arg4[%add3A_1046, %dma_start3A_1047] : memref<2000x4096xf32, #tpu.memory_space<hbm>> -> memref<8x4096xf32, #tpu.memory_space<hbm>>
    %dma_start3A_1049 = arith.constant 0 : i32
    %dma_start3A_1050 = tpu.memref_slice %arg4[%add3A_1046, %dma_start3A_1049] : memref<2000x4096xf32, #tpu.memory_space<hbm>> -> memref<8x4096xf32, #tpu.memory_space<hbm>>
    tpu.enqueue_dma source(%arg11 : memref<8x4096xf32, #tpu.memory_space<vmem>>) target(%dma_start3A_1050 : memref<8x4096xf32, #tpu.memory_space<hbm>>) target_semaphore(%arg19 : memref<!tpu.dma_semaphore, #tpu.memory_space<semaphore_mem>>)
    %dma_wait3A_1051 = tpu.memref_slice %arg10[%add3A_1032] : memref<128xi32, #tpu.memory_space<vmem>> -> memref<8xi32, #tpu.memory_space<vmem>>
    %dma_wait3A_1052 = arith.constant 0 : i32
    %dma_wait3A_1053 = arith.constant 0 : i32
    %dma_wait3A_1054 = tpu.memref_slice %arg2[%dma_wait3A_1052, %dma_wait3A_1053] : memref<20000x4096xf32, #tpu.memory_space<hbm>> -> memref<20000x4096xf32, #tpu.memory_space<hbm>>
    tpu.wait_indirect_dma semaphore(%arg17 : memref<!tpu.dma_semaphore, #tpu.memory_space<semaphore_mem>>) src(%dma_wait3A_1054 : memref<20000x4096xf32, #tpu.memory_space<hbm>>) dst(%arg12 : memref<8x4096xf32, #tpu.memory_space<vmem>>)
    %add3A_1055 = arith.addi %mul3A_204, %min3A_929 : i32
    %dma_start3A_1056 = arith.constant 0 : i32
    %dma_start3A_1057 = tpu.memref_slice %arg4[%add3A_1055, %dma_start3A_1056] : memref<2000x4096xf32, #tpu.memory_space<hbm>> -> memref<8x4096xf32, #tpu.memory_space<hbm>>
    %dma_start3A_1058 = arith.constant 0 : i32
    %dma_start3A_1059 = tpu.memref_slice %arg4[%add3A_1055, %dma_start3A_1058] : memref<2000x4096xf32, #tpu.memory_space<hbm>> -> memref<8x4096xf32, #tpu.memory_space<hbm>>
    tpu.enqueue_dma source(%arg12 : memref<8x4096xf32, #tpu.memory_space<vmem>>) target(%dma_start3A_1059 : memref<8x4096xf32, #tpu.memory_space<hbm>>) target_semaphore(%arg20 : memref<!tpu.dma_semaphore, #tpu.memory_space<semaphore_mem>>)
    %dma_wait3A_1060 = arith.constant 0 : i32
    %dma_wait3A_1061 = tpu.memref_slice %arg4[%add3A_1037, %dma_wait3A_1060] : memref<2000x4096xf32, #tpu.memory_space<hbm>> -> memref<8x4096xf32, #tpu.memory_space<hbm>>
    %dma_wait3A_1062 = arith.constant 0 : i32
    %dma_wait3A_1063 = tpu.memref_slice %arg4[%add3A_1037, %dma_wait3A_1062] : memref<2000x4096xf32, #tpu.memory_space<hbm>> -> memref<8x4096xf32, #tpu.memory_space<hbm>>
    tpu.wait_dma2 semaphore(%arg21 : memref<!tpu.dma_semaphore, #tpu.memory_space<semaphore_mem>>) src(%arg13 : memref<8x4096xf32, #tpu.memory_space<vmem>>) dst(%dma_wait3A_1063 : memref<8x4096xf32, #tpu.memory_space<hbm>>)
    %dma_wait3A_1064 = arith.constant 0 : i32
    %dma_wait3A_1065 = tpu.memref_slice %arg4[%add3A_1046, %dma_wait3A_1064] : memref<2000x4096xf32, #tpu.memory_space<hbm>> -> memref<8x4096xf32, #tpu.memory_space<hbm>>
    %dma_wait3A_1066 = arith.constant 0 : i32
    %dma_wait3A_1067 = tpu.memref_slice %arg4[%add3A_1046, %dma_wait3A_1066] : memref<2000x4096xf32, #tpu.memory_space<hbm>> -> memref<8x4096xf32, #tpu.memory_space<hbm>>
    tpu.wait_dma2 semaphore(%arg19 : memref<!tpu.dma_semaphore, #tpu.memory_space<semaphore_mem>>) src(%arg11 : memref<8x4096xf32, #tpu.memory_space<vmem>>) dst(%dma_wait3A_1067 : memref<8x4096xf32, #tpu.memory_space<hbm>>)
    %dma_wait3A_1068 = arith.constant 0 : i32
    %dma_wait3A_1069 = tpu.memref_slice %arg4[%add3A_1055, %dma_wait3A_1068] : memref<2000x4096xf32, #tpu.memory_space<hbm>> -> memref<8x4096xf32, #tpu.memory_space<hbm>>
    %dma_wait3A_1070 = arith.constant 0 : i32
    %dma_wait3A_1071 = tpu.memref_slice %arg4[%add3A_1055, %dma_wait3A_1070] : memref<2000x4096xf32, #tpu.memory_space<hbm>> -> memref<8x4096xf32, #tpu.memory_space<hbm>>
    tpu.wait_dma2 semaphore(%arg20 : memref<!tpu.dma_semaphore, #tpu.memory_space<semaphore_mem>>) src(%arg12 : memref<8x4096xf32, #tpu.memory_space<vmem>>) dst(%dma_wait3A_1071 : memref<8x4096xf32, #tpu.memory_space<hbm>>)
    return
  }
}

</mosaic_0001>

<sc_bundles>
// kernel: kernel.3.cloned.1.call-start
scs
__scs_entry_jumppad:
0x0: {  	(pc) =	sbr.rel $0x88, $3  }
0x1: {  	(tag) =	ssettag $0x0;
	lr =	simm.s32 $0x1  }
0x2: {  	[smem:$0x3F9F] =	sst lr;
	_ =	strace $0xD0000000  }
0x3: {  	_ = 	snop  }
0x4: {  	_ = 	snop  }
0x5: {  	_ = 	snop  }
0x6: {  	_ = 	snop  }
0x7: {  	_ = 	snop  }
__scs_overlays_trampoline_lowered:
0x8: {  	[smem:$0x3FAE] =	sst s0  }
0x9: {  	[smem:$0x3FAF] =	sst s1  }
0xa: {  	[smem:$0x3FB0] =	sst s2  }
0xb: {  	[smem:$0x3FB1] =	sst s3  }
0xc: {  	[smem:$0x3FB2] =	sst s4  }
0xd: {  	[smem:$0x3FB3] =	sst s5  }
0xe: {  	[smem:$0x3FB4] =	sst s6  }
0xf: {  	[smem:$0x3FB5] =	sst s7  }
0x10: {  	[smem:$0x3FB6] =	sst s8  }
0x11: {  	[smem:$0x3FB7] =	sst s9;
	s0 =	simm.s32 @!p0 $0x0  }
0x12: {  	s1 =	sld [smem:$0x3F9D];
	s0 =	simm.s32 @p0 $0x1  }
0x13: {  	[smem:$0x3FB8] =	sst s0;
	s0 =	simm.s32 @!p1 $0x0  }
0x14: {  	s2 =	sld [smem:$0x3F9C];
	s0 =	simm.s32 @p1 $0x1  }
0x15: {  	[smem:$0x3FB9] =	sst s0;
	s0 =	simm.s32 @!p2 $0x0  }
0x16: {  	s3 =	sld [smem:$0x3FDB];
	s0 =	simm.s32 @p2 $0x1  }
0x17: {  	s4 =	simm.s32 $0x1BF5;
	[smem:$0x3FBB] =	sst s0  }
0x18: {  	s0 =	sld [smem:$0x3F9E];
	_ =	swait.ge [sflag:s4], $0x0  }
0x19: {  	s7 =	sld [smem:$0x3F9F]  }
0x1a: {  	s8 =	sadd.s32 $0xFFFFE003, lr  }
0x1b: {  	s9 =	sadd.s32 $0xFFFFFEF7, lr;
	s5 =	simm.s32 $0xFFFFFFFF;
	p2 =	slt.u32 s8, $0xFFFFF086  }
0x1c: {  	p1 =	slt.u32 s9, $0xF7A;
	s5 =	simm.s32 @!p2 $0x0  }
0x1d: {  	s5 =	simm.s32 @p1 $0x1;
	p0 =	seq.s32 s7, s2  }
0x1e: {  	s7 =	smul.u32 @!p0 $0xF7A, s2;
	p2 =	seq.s32 @!p0 s5, $0x0  }
0x1f: {  	s9 =	smul.u32 $0xF7A, s1;
	s8 =	simm.s32 @!p0 $0x1BF5;
	p2 =	por !p2, p0  }
0x20: {  	[sflag:s8] =	ssyncset.s32 @!p0 $0xFFFFF086;
	s6 =	sadd.s32 @!p0 s3, s7;
	s7 =	simm.s32 @!p0 $0x108  }
0x21: {  	s3 =	sadd.s32 s3, s9;
	s6 =	sadd.s32 @!p0 $0x88, s6;
	s7 =	simm.s32 @p2 $0x1082  }
0x22: {  	[simem:s7], [sflag:s8] =	dma.local @!p0 [hbm:s6], $0xF7A  }
0x23: {  	s9 =	sor.u32 $0xD0000000, s2;
	s6 =	simm.s32 $0x108;
	_ =	swait.ge @!p0 [sflag:s8], $0x0  }
0x24: {  	s3 =	sadd.s32 $0x88, s3;
	s6 =	simm.s32 @!p1 $0x1082;
	[sflag:s4] =	ssyncset.s32 $0xFFFFF086  }
0x25: {  	[simem:s6], [sflag:s4] =	dma.local [hbm:s3], $0xF7A  }
0x26: {  	[smem:$0x3F9F] =	sst s1;
	(tag) =	ssettag s2;
	_ =	strace s9  }
0x27: {  	s1 =	sld [smem:$0x3FAF]  }
0x28: {  	s2 =	sld [smem:$0x3FB0]  }
0x29: {  	s4 =	sld [smem:$0x3FB2]  }
0x2a: {  	p0 =	seq.s32 s5, $0x0;
	s5 =	sld [smem:$0x3FB3]  }
0x2b: {  	s6 =	sld [smem:$0x3FB4]  }
0x2c: {  	s7 =	sld [smem:$0x3FB5]  }
0x2d: {  	s3 =	simm.s32 $0x108;
	s8 =	sld [smem:$0x3FB6]  }
0x2e: {  	s3 =	simm.s32 @!p0 $0x1082;
	s9 =	sld [smem:$0x3FB7]  }
0x2f: {  	lr =	sadd.s32 s0, s3;
	s0 =	sld [smem:$0x3FAE]  }
0x30: {  	s3 =	sld [smem:$0x3FB1]  }
0x31: {  	[smem:$0x3FBA] =	sst s10  }
0x32: {  	s10 =	sld [smem:$0x3FB8];
	_ =	sdelay $0x3  }
0x33: {  	p0 =	seq.s32 s10, $0x1;
	s10 =	sld [smem:$0x3FBA];
	_ =	sdelay $0x3  }
0x34: {  	[smem:$0x3FBA] =	sst s10  }
0x35: {  	s10 =	sld [smem:$0x3FB9];
	_ =	sdelay $0x3  }
0x36: {  	p1 =	seq.s32 s10, $0x1;
	s10 =	sld [smem:$0x3FBA];
	_ =	sdelay $0x3  }
0x37: {  	[smem:$0x3FBA] =	sst s10  }
0x38: {  	s10 =	sld [smem:$0x3FBB]  }
0x39: {  	_ = 	snop;
	(pc) =	sbr.ind lr, $3  }
0x3a: {  	_ = 	snop  }
0x3b: {  	_ = 	snop  }
0x3c: {  	p2 =	seq.s32 s10, $0x1;
	s10 =	sld [smem:$0x3FBA]  }
0x3d: {  	_ =	shalt  }
0x3e: {  	_ =	shalt  }
0x3f: {  	_ =	shalt  }
0x40: {  	_ =	shalt  }
0x41: {  	_ =	shalt  }
0x42: {  	_ =	shalt  }
0x43: {  	_ =	shalt  }
0x44: {  	_ =	shalt  }
0x45: {  	_ =	shalt  }
0x46: {  	_ =	shalt  }
0x47: {  	_ =	shalt  }
0x48: {  	_ =	shalt  }
0x49: {  	_ =	shalt  }
0x4a: {  	_ =	shalt  }
0x4b: {  	_ =	shalt  }
0x4c: {  	_ =	shalt  }
0x4d: {  	_ =	shalt  }
0x4e: {  	_ =	shalt  }
0x4f: {  	_ =	shalt  }
0x50: {  	_ =	shalt  }
0x51: {  	_ =	shalt  }
0x52: {  	_ =	shalt  }
0x53: {  	_ =	shalt  }
0x54: {  	_ =	shalt  }
0x55: {  	_ =	shalt  }
0x56: {  	_ =	shalt  }
0x57: {  	_ =	shalt  }
0x58: {  	_ =	shalt  }
0x59: {  	_ =	shalt  }
0x5a: {  	_ =	shalt  }
0x5b: {  	_ =	shalt  }
0x5c: {  	_ =	shalt  }
0x5d: {  	_ =	shalt  }
0x5e: {  	_ =	shalt  }
0x5f: {  	_ =	shalt  }
0x60: {  	_ =	shalt  }
0x61: {  	_ =	shalt  }
0x62: {  	_ =	shalt  }
0x63: {  	_ =	shalt  }
0x64: {  	_ =	shalt  }
0x65: {  	_ =	shalt  }
0x66: {  	_ =	shalt  }
0x67: {  	_ =	shalt  }
0x68: {  	_ =	shalt  }
0x69: {  	_ =	shalt  }
0x6a: {  	_ =	shalt  }
0x6b: {  	_ =	shalt  }
0x6c: {  	_ =	shalt  }
0x6d: {  	_ =	shalt  }
0x6e: {  	_ =	shalt  }
0x6f: {  	_ =	shalt  }
0x70: {  	_ =	shalt  }
0x71: {  	_ =	shalt  }
0x72: {  	_ =	shalt  }
0x73: {  	_ =	shalt  }
0x74: {  	_ =	shalt  }
0x75: {  	_ =	shalt  }
0x76: {  	_ =	shalt  }
0x77: {  	_ =	shalt  }
0x78: {  	_ =	shalt  }
0x79: {  	_ =	shalt  }
0x7a: {  	_ =	shalt  }
0x7b: {  	_ =	shalt  }
0x7c: {  	_ =	shalt  }
0x7d: {  	_ =	shalt  }
0x7e: {  	_ =	shalt  }
0x7f: {  	_ =	shalt  }
0x80: {  	_ =	shalt  }
0x81: {  	_ =	shalt  }
0x82: {  	_ =	shalt  }
0x83: {  	_ =	shalt  }
0x84: {  	_ =	shalt  }
0x85: {  	_ =	shalt  }
0x86: {  	_ =	shalt  }
0x87: {  	_ =	shalt  }
.Lfunc_end0:
.L_simem_size_0:
called_computation_lowered:
.L_overlay_start_0:
0x88: {  	s2 =	sld [smem:$0x3FD9]  }
0x89: {  	s3 =	sld [smem:$0x3FFE];
	_ =	sdelay $0x1  }
0x8a: {  	s1 =	srdreg.scid  }
0x8b: {  	s0 =	sand.u32 $0x1, s1  }
0x8c: {  	s18 =	sshll.u32 s0, $0xA;
	s2 =	sadd.s32 s3, s2  }
0x8d: {  	s2 =	sadd.s32 s2, s18  }
0x8e: {  	[smem:$0x3FC6] =	sst s2  }
0x8f: {  	_ = 	snop  }
0x90: {  	s2 =	sld [smem:$0x3FC9]  }
0x91: {  	s19 =	sld [smem:$0x3FC8]  }
0x92: {  	s4 =	sld [smem:$0x3FD0];
	(tm) =	ssettm $0x1  }
0x93: {  	s5 =	sld [smem:$0x3FFB];
	_ =	sdelay $0x3  }
0x94: {  	_ =	strace s5  }
0x95: {  	s5 =	sld [smem:$0x3FFC];
	_ =	sdelay $0x3  }
0x96: {  	_ =	strace s5  }
0x97: {  	s5 =	sld [smem:$0x3FFD];
	_ =	sdelay $0x3  }
0x98: {  	_ =	strace s5  }
0x99: {  	_ =	strace $0x8FFFFFFF  }
0x9a: {  	s20 =	sld [smem:$0x3FDB];
	_ =	sdelay $0x1  }
0x9b: {  	s6 =	simm.s32 $_scs_section_size  }
0x9c: {  	s7 =	simm.s32 $_size__tile_overlayer_lowered;
	s8 =	simm.s32 $_tile_overlayer_lowered  }
0x9d: {  	s23 =	simm.s32 $0x1BFF;
	s22 =	sshll.u32 s8, $0x1;
	s5 =	sadd.s32 s6, s20  }
0x9e: {  	s9 =	simm.s32 $0x0;
	s21 =	sshll.u32 s7, $0x1;
	s7 =	sadd.s32 s22, s5  }
0x9f: {  	[timem:s9], [sflag:s23] =	dma.local [hbm:s7], s21  }
0xa0: {  	_ =	swait.ge [sflag:s23], s21  }
0xa1: {  	s6 =	ssub.s32 $0x0, s21;
	[sflag:s23] =	ssyncset.done $0x0  }
0xa2: {  	[sflag:s23] =	ssyncadd.s32 s6;
	_ =	sdelay $0x1  }
0xa3: {  	s24 =	simm.s32 $0x1B8B  }
0xa4: {  	_ =	swait.ge [sflag:s24], $0x1  }
0xa5: {  	[sflag:s24] =	ssyncset.done $0x0  }
0xa6: {  	s25 =	simm.s32 $0x1B8E;
	[sflag:s24] =	ssyncadd.s32 $0xFFFFFFFF  }
0xa7: {  	s26 =	simm.s32 $execute0_lowered;
	[smem:$0x3FD2] =	sst s25  }
0xa8: {  	s6 =	sshll.u32 s26, $0x1;
	_ =	strace $0x80000046;
	[dreg:$0x1] =	wrdreg $0xFFFFFFFF  }
0xa9: {  	s28 =	simm.s32 $_size_execute0_lowered;
	s5 =	sadd.s32 s5, s6;
	[dreg:$0x0] =	wrdreg $0x0  }
0xaa: {  	s6 =	sshll.u32 s28, $0x1;
	[dreg:$0x2] =	wrdreg s5  }
0xab: {  	[dreg:$0x3] =	wrdreg s6  }
0xac: {  	[dreg:$0x4] =	wrdreg $0xC0  }
0xad: {  	_ =	task [dreg:s9], $0x5FFFF  }
0xae: {  	[dreg:$0x1] =	wrdreg $0xFFFFFFFF  }
0xaf: {  	[dreg:$0x0] =	wrdreg $0x60  }
0xb0: {  	[dreg:$0x2] =	wrdreg s2  }
0xb1: {  	[dreg:$0x3] =	wrdreg s19  }
0xb2: {  	[dreg:$0x4] =	wrdreg s4  }
0xb3: {  	[dreg:$0x5] =	wrdreg $0x19E000  }
0xb4: {  	[dreg:$0x6] =	wrdreg $0x19E100  }
0xb5: {  	[dreg:$0x7] =	wrdreg $0x9  }
0xb6: {  	_ =	task.clear_ibuf [dreg:s9], $0x8FFFF;
	_ =	strace $0x90000046  }
0xb7: {  	s29 =	simm.s32 $0x9;
	_ =	strace $0x80000048  }
0xb8: {  	_ =	swait.ge [sflag:s29], $0x1  }
0xb9: {  	[sflag:s29] =	ssyncadd.s32 $0xFFFFFFFF  }
0xba: {  	_ =	strace $0x90000048  }
0xbb: {  	_ =	sfence  }
0xbc: {  	s30 =	sld [smem:$0x0];
	_ =	sdelay $0x2  }
0xbd: {  	s31 =	sshll.u32 s1, $0xD;
	s1 =	sshrl.u32 s1, $0x2  }
0xbe: {  	s3 =	sand.u32 $0x4000, s31;
	s1 =	sadd.s32 s1, s30  }
0xbf: {  	s0 =	sor.u32 s3, s0;
	s1 =	sshll.u32 s1, $0x11  }
0xc0: {  	s0 =	sor.u32 s1, s0  }
0xc1: {  	s0 =	sadd.s32 $0x8F2B, s0  }
0xc2: {  	[sflag:s0] =	ssyncadd.remote.s32 $0x1  }
0xc3: {  	_ =	sfence.sel $0xFFFF  }
0xc4: {  	[dreg:$0x0] =	wrdreg $0xFFFFFFFF;
	(pc) =	sbr.abs _section_cstart, $3  }
0xc5: {  	[dreg:$0x1] =	wrdreg $0xFFFFFFFF  }
0xc6: {  	_ =	task.clear_ibuf [dreg:s9], $0x2FFFF;
	_ =	strace $0x9FFFFFFF  }
0xc7: {  	(tm) =	ssettm $0x7FFFFFFF  }
tec
execute0_lowered:
.L_overlay_start_1:
0x0: {  	(tag) =	ssettag $0x1  }
0x1: {  	s5 =	rddreg [dreg:$0x1]  }
0x2: {  	s1 =	srdreg.scid;
	s0 =	rddreg [dreg:$0x2]  }
0x3: {  	s4 =	stileid.u32;
	s7 =	rddreg [dreg:$0x4];
	s22 =	simm.s32 $0x1  }
0x4: {  	s24 =	simm.s32 $0x1;
	s29 =	simm.s32 $0x1;
	s18 =	rddreg [dreg:$0x3]  }
0x5: {  	s3 =	sand.u32 $0x1, s1;
	s17 =	smul.u32 $0x4F0, s4;
	s1 =	simm.s32 $0x0  }
0x6: {  	s19 =	sshll.u32 s4, $0x1;
	s20 =	sshll.u32 s4, $0x7;
	p0 =	sne.s32 s4, $0x0  }
0x7: {  	p1 =	sgt.u32 s4, $0x1;
	p3 =	sgt.u32 s4, $0x2;
	s23 =	sshll.u32 s4, $0xB  }
0x8: {  	p4 =	sgt.u32 s4, $0xC;
	s2 =	ssub.s32 $0x2, s3;
	[smem:$0x7FF] =	sst s1  }
0x9: {  	s11 =	sor.u32 s3, s19;
	s22 =	simm.s32 @!p1 $0x0;
	p2 =	seq.s32 s3, $0x1  }
0xa: {  	s24 =	simm.s32 @!p3 $0x0;
	s10 =	sand.u32 $0x380, s20;
	p3 =	sgt.u32 s4, $0xB  }
0xb: {  	s3 =	sshll.u32 s3, $0x6;
	s8 =	sshrl.u32 s2, $0x1;
	s6 =	smin.u32 s17, $0x4930  }
0xc: {  	p6 =	seq.s32 s11, $0x0;
	s12 =	sshll.u32 s11, $0x6;
	s14 =	sshll.u32 s11, $0xF  }
0xd: {  	s2 =	ssub.s32 s2, s8;
	s9 =	sshrl.u32 s6, $0x3;
	p1 =	por !p6, !p2  }
0xe: {  	s8 =	simm.s32 $0x1;
	s13 =	sxor.u32 $0x7C8, s12;
	s19 =	sadd.s32 s0, s14  }
0xf: {  	s6 =	ssub.s32 s17, s6;
	s5 =	sadd.s32 s5, s9;
	p2 =	por !p1, !p1  }
0x10: {  	p1 =	sgt.u32 s4, $0x3;
	s9 =	sand.u32 $0x4000, s23;
	s11 =	smin.u32 s13, $0x30  }
0x11: {  	s2 =	smax.u32 s2, $0x1;
	[dreg:$0x7] =	wrdreg s5;
	s8 =	simm.s32 @!p2 $0x0  }
0x12: {  	s9 =	sadd.s32 s9, s7;
	s31 =	sor.u32 s12, s11;
	p2 =	sgt.u32 s4, $0x4  }
0x13: {  	s8 =	ssub.s32 s4, s8;
	s9 =	sadd.s32 s10, s9;
	s10 =	smin.u32 s13, $0x28  }
0x14: {  	s8 =	sshll.u32 s8, $0xC;
	[dreg:$0x8] =	wrdreg s9;
	s9 =	smin.u32 s13, $0x20  }
0x15: {  	s30 =	sor.u32 s12, s10;
	s8 =	sshra.s32 s8, $0x2;
	s16 =	sor.u32 s12, s9  }
0x16: {  	s7 =	sadd.s32 s8, s7;
	s8 =	smin.u32 s13, $0x18;
	s16 =	sshll.u32 s16, $0x9  }
0x17: {  	[dreg:$0x9] =	wrdreg s7;
	s7 =	smin.u32 s13, $0x10;
	s13 =	smin.u32 s13, $0x38  }
0x18: {  	s15 =	sor.u32 s12, s8;
	s28 =	sadd.s32 s0, s16;
	s16 =	smul.u32 $0x4F, s4  }
0x19: {  	s25 =	sor.u32 s12, s7;
	s15 =	sshll.u32 s15, $0x9;
	[dreg:$0xd] =	wrdreg s28  }
0x1a: {  	s12 =	sor.u32 s12, s13;
	s28 =	simm.s32 $0x1;
	s14 =	sshll.u32 s25, $0x9  }
0x1b: {  	s26 =	sadd.s32 s0, s15;
	s15 =	sshll.u32 s31, $0x9;
	s12 =	sshll.u32 s12, $0x9  }
0x1c: {  	s28 =	simm.s32 @!p2 $0x0;
	p2 =	sgt.u32 s4, $0x6;
	s31 =	simm.s32 $0x1  }
0x1d: {  	s25 =	simm.s32 $0x1;
	s14 =	sadd.s32 s0, s14;
	[dreg:$0xc] =	wrdreg s26  }
0x1e: {  	s15 =	sadd.s32 s0, s15;
	s29 =	simm.s32 @!p2 $0x0;
	[dreg:$0xb] =	wrdreg s14  }
0x1f: {  	p2 =	sgt.u32 s4, $0x8;
	s14 =	sshll.u32 s30, $0x9;
	[dreg:$0xf] =	wrdreg s15  }
0x20: {  	s14 =	sadd.s32 s0, s14;
	s0 =	sadd.s32 s0, s12;
	s12 =	rddreg [dreg:$0x0]  }
0x21: {  	s26 =	simm.s32 $0x1;
	[dreg:$0x10] =	wrdreg s0;
	s0 =	simm.s32 $0x1  }
0x22: {  	s30 =	simm.s32 $0x1;
	[dreg:$0xe] =	wrdreg s14;
	s0 =	simm.s32 @!p2 $0x0  }
0x23: {  	s14 =	simm.s32 $0x1;
	s15 =	sadd.s32 $0x300, s12;
	[smem:$0x7FC] =	sst s0  }
0x24: {  	s14 =	simm.s32 @!p1 $0x0;
	_ =	strace $0x80000047;
	[dreg:$0x6] =	wrdreg s17  }
0x25: {  	p1 =	sgt.u32 s4, $0x5;
	p2 =	sgt.u32 s4, $0xA;
	[dreg:$0x11] =	wrdreg s6  }
0x26: {  	s30 =	simm.s32 @!p1 $0x0;
	p1 =	sgt.u32 s4, $0x7;
	[dreg:$0x1b] =	wrdreg s2  }
0x27: {  	s26 =	simm.s32 @!p2 $0x0;
	p2 =	seq.s32 s4, $0xF;
	[dreg:$0x1f] =	wrdreg s15  }
0x28: {  	s0 =	ssub.s32 $0x4E2, s16;
	s15 =	sadd.s32 $0xF00, s12;
	[dreg:$0xa] =	wrdreg s19  }
0x29: {  	s31 =	simm.s32 @!p1 $0x0;
	p1 =	sgt.u32 s4, $0x9;
	[smem:$0x7FB] =	sst s15  }
0x2a: {  	s16 =	smin.u32 s0, $0x4F;
	s25 =	simm.s32 @!p1 $0x0;
	v54 =	vmov s31;
	s31 =	sld [smem:$0x7FC]  }
0x2b: {  	p1 =	sgt.u32 s4, $0xD;
	s4 =	sadd.s32 s20, s18;
	[smem:$0x7FD] =	sst s16  }
0x2c: {  	s20 =	sor.u32 $0x1D80, s3;
	s3 =	sor.u32 $0x1D88, s3;
	[dreg:$0x12] =	wrdreg s4  }
0x2d: {  	[dreg:$0x14] =	wrdreg s3  }
0x2e: {  	s5 =	sor.u32 s7, s20;
	[dreg:$0x13] =	wrdreg s20  }
0x2f: {  	s6 =	sor.u32 s8, s20;
	[dreg:$0x15] =	wrdreg s5  }
0x30: {  	s7 =	sor.u32 s9, s20;
	[dreg:$0x16] =	wrdreg s6  }
0x31: {  	v48 =	vmov s22;
	s8 =	sor.u32 s10, s20;
	[dreg:$0x17] =	wrdreg s7  }
0x32: {  	v49 =	vmov s24;
	[tilespmem:$0x1FF00] =	vst v48;
	s9 =	sor.u32 s11, s20;
	[dreg:$0x18] =	wrdreg s8  }
0x33: {  	s21 =	simm.s32 $0x1;
	v50 =	vmov s14;
	[tilespmem:$0x1FF10] =	vst v49;
	s10 =	sor.u32 s13, s20;
	[dreg:$0x19] =	wrdreg s9  }
0x34: {  	s21 =	simm.s32 @!p3 $0x0;
	v51 =	vmov s28;
	[tilespmem:$0x1FF20] =	vst v50;
	s11 =	sadd.s32 $0x100, s12;
	[dreg:$0x1a] =	wrdreg s10  }
0x35: {  	s23 =	simm.s32 $0x1;
	v53 =	vmov s29;
	[tilespmem:$0x1FF30] =	vst v51;
	s13 =	sadd.s32 $0x200, s12;
	[dreg:$0x1d] =	wrdreg s11  }
0x36: {  	v14 =	vlaneseq.u32;
	v58 =	vmov s21;
	s23 =	simm.s32 @!p4 $0x0;
	[tilespmem:$0x1FF50] =	vst v53;
	s20 =	sadd.s32 $0x400, s12;
	[dreg:$0x1e] =	wrdreg s13  }
0x37: {  	v18 =	vshrl.u32 v14, $0x3;
	v59 =	vmov s23;
	s23 =	simm.s32 $0x9E00;
	[tilespmem:$0x1FFA0] =	vst v58;
	s3 =	sadd.s32 $0x500, s12;
	[smem:$0x7F0] =	sst s20  }
0x38: {  	v62 =	vand.u32 $0x7, v14;
	v63 =	vmul.u32 $0x8, v18;
	s29 =	simm.s32 $0x15E00;
	[tilespmem:$0x1FFB0] =	vst v59;
	s4 =	sadd.s32 $0x600, s12;
	[smem:$0x7F1] =	sst s3  }
0x39: {  	s0 =	simm.s32 $0x1;
	[tilespmem:$0x1FFE0] =	vst v62;
	[smem:$0x7F2] =	sst s4;
	s5 =	sadd.s32 $0x700, s12  }
0x3a: {  	s17 =	simm.s32 $0x1;
	v52 =	vmov s30;
	[tilespmem:$0x1FFF0] =	vst v63;
	s6 =	sadd.s32 $0x800, s12;
	[smem:$0x7F3] =	sst s5  }
0x3b: {  	v57 =	vmov s26;
	s2 =	simm.s32 $0x0;
	[tilespmem:$0x1FF40] =	vst v52;
	s7 =	sadd.s32 $0x900, s12;
	[smem:$0x7F4] =	sst s6  }
0x3c: {  	s0 =	simm.s32 @!p0 $0x0;
	[tilespmem:$0x1FF90] =	vst v57;
	s8 =	sadd.s32 $0xA00, s12;
	[smem:$0x7F5] =	sst s7  }
0x3d: {  	s18 =	simm.s32 $0x1;
	v0 =	vmov s0;
	[tilespmem:$0x1FF60] =	vst v54;
	s9 =	sadd.s32 $0xB00, s12;
	[smem:$0x7F6] =	sst s8  }
0x3e: {  	s17 =	simm.s32 @!p1 $0x0;
	v56 =	vmov s25;
	s10 =	sadd.s32 $0xC00, s12;
	[tilespmem:$0x1FEF0] =	vst v0;
	[smem:$0x7F7] =	sst s9  }
0x3f: {  	s18 =	simm.s32 @!p2 $0x0;
	s11 =	sadd.s32 $0xD00, s12;
	[tilespmem:$0x1FF80] =	vst v56;
	v60 =	vmov s17;
	[smem:$0x7F8] =	sst s10  }
0x40: {  	s26 =	simm.s32 $0x15600;
	s13 =	sadd.s32 $0xE00, s12;
	v61 =	vmov s18;
	[smem:$0x7F9] =	sst s11;
	[tilespmem:$0x1FFC0] =	vst v60  }
0x41: {  	s20 =	sadd.s32 $0x1000, s19;
	s12 =	simm.s32 $0x7;
	[smem:$0x7FA] =	sst s13;
	v55 =	vmov s31;
	[tilespmem:$0x1FFD0] =	vst v61  }
0x42: {  	v16 =	vimm.s32 $0x0;
	vm0 =	vmmov $0xffff;
	s19 =	simm.s32 $0x2;
	[dreg:$0x1c] =	wrdreg s20;
	s20 =	simm.s32 $0x500;
	[tilespmem:$0x1FF70] =	vst v55  }
.LBB2_1:
0x43: {  	s0 =	rddreg [dreg:$0x7]  }
0x44: {  	[tilespmem:s1], [sflag:$0x7] =	stream.linear.gather [hbm4b:s0+s1], $0x4F0, $0x38;
	[tilespmem:$0x1A610] =	vst v63  }
0x45: {  	_ =	swait.ge [sflag:s12], $0x4F0  }
0x46: {  	[sflag:s12] =	ssyncset.done $0x0  }
0x47: {  	s15 =	simm.s32 $0x0;
	v19 =	vimm.s32 $0x0;
	s0 =	simm.s32 $0x40;
	[sflag:s12] =	ssyncadd.s32 $0xFFFFFB10  }
.LBB2_2:
0x48: {  	p1 =	sne.s32 s0, $0x1FC0;
	[tilespmem:s15+$0x500] =	vst v19;
	s15 =	smov.u32 s0;
	s0 =	sadd.s32 $0x40, s0  }
.Ltmp0:
0x49: {  	(pc) =	sbr.rel @p1 .LBB2_2-.Ltmp0, $2  }
0x4a: {  	_ =	sdelay $0x2  }
0x4b: {  	v19 =	vimm.s32 $0x0;
	s15 =	sshra.s32 s15, $0x2  }
0x4c: {  	[tilespmem:s15+$0x500] =	vst v19;
	s21 =	rddreg [dreg:$0x11]  }
0x4d: {  	p1 =	sne.s32 s16, $0x1;
	v20 =	vld [tilespmem:s21+$0x0]  }
.Ltmp1:
0x4e: {  	_ = 	snop;
	(pc) =	sbr.rel @!p1 .LBB2_5-.Ltmp1, $2  }
0x4f: {  	_ =	sdelay $0x2  }
0x50: {  	s0 =	sadd.s32 $0xFFFFFFFF, s16;
	s15 =	sadd.s32 $0x10, s21;
	vm1 =	vlt.f32 v20, $0.0e+00;
	vm2 =	vgt.f32 v20, $0.0e+00  }
.LBB2_4:
0x51: {  	v20 =	vld [tilespmem:s15+$0x0];
	p2 =	sne.s32 s0, $0x1;
	s0 =	sadd.s32 $0xFFFFFFFF, s0;
	vm1 =	vmor vm2, vm1  }
.Ltmp2:
0x52: {  	v21 =	vsel vm1, $0x1, v16;
	(pc) =	sbr.rel @p2 .LBB2_4-.Ltmp2, $2  }
0x53: {  	v19 =	vadd.s32 v21, v19;
	_ =	sdelay $0x2  }
0x54: {  	s15 =	sadd.s32 $0x10, s15;
	vm1 =	vlt.f32 v20, $0.0e+00;
	vm2 =	vgt.f32 v20, $0.0e+00  }
.LBB2_5:
0x55: {  	vm1 =	vmor vm2, vm1  }
0x56: {  	v20 =	vsel vm1, $0x1, v16  }
0x57: {  	v19 =	vadd.s32 v20, v19  }
0x58: {  	s0 =	rddreg [dreg:$0x12];
	s15 =	simm.s32 $0xD00;
	[tilespmem:$0xD00] =	vst v19  }
0x59: {  	[spmem:s0] =	stream.linear.scatter [tilespmem:s15], [sflag:$0x7], $0x80, $0x38;
	[tilespmem:$0x1A610] =	vst v63  }
0x5a: {  	_ =	swait.ge [sflag:s12], $0x80  }
0x5b: {  	[sflag:s12] =	ssyncset.done $0x0  }
0x5c: {  	[sflag:s12] =	ssyncadd.s32 $0xFFFFFF80  }
0x5d: {  	[bflag:$0x0] =	sbarrier.arrive $0xFFFF  }
0x5e: {  	s31 =	simm.s32 $0xD80;
	s30 =	rddreg [dreg:$0x3]  }
0x5f: {  	[tilespmem:s31], [sflag:$0x7] =	stream.linear.gather [spmem:s30], $0x800, $0x38;
	[tilespmem:$0x1A610] =	vst v63  }
0x60: {  	_ =	swait.ge [sflag:s12], $0x800  }
0x61: {  	v0 =	vld [tilespmem:$0x1FF00]  }
0x62: {  	v37 =	vld [tilespmem:$0x1FEF0]  }
0x63: {  	v38 =	vld [tilespmem:$0x1FF10]  }
0x64: {  	v39 =	vld [tilespmem:$0x1FF20]  }
0x65: {  	v41 =	vld [tilespmem:$0x1FF30]  }
0x66: {  	v44 =	vld [tilespmem:$0x1FF40]  }
0x67: {  	v46 =	vld [tilespmem:$0x1FF50]  }
0x68: {  	v49 =	vld [tilespmem:$0x1FF60]  }
0x69: {  	v51 =	vld [tilespmem:$0x1FF70]  }
0x6a: {  	v54 =	vld [tilespmem:$0x1FF80]  }
0x6b: {  	v56 =	vld [tilespmem:$0x1FF90]  }
0x6c: {  	v58 =	vld [tilespmem:$0x1FFA0]  }
0x6d: {  	v59 =	vld [tilespmem:$0x1FFB0]  }
0x6e: {  	[sflag:s12] =	ssyncset.done $0x0;
	v61 =	vld [tilespmem:$0x1FFC0]  }
0x6f: {  	v62 =	vld [tilespmem:$0x1FFD0];
	[sflag:s12] =	ssyncadd.s32 $0xFFFFF800  }
0x70: {  	v19 =	vld [tilespmem:$0xE00]  }
0x71: {  	v20 =	vld [tilespmem:$0xD80]  }
0x72: {  	v21 =	vld [tilespmem:$0xE80]  }
0x73: {  	v22 =	vld [tilespmem:$0xF00]  }
0x74: {  	v23 =	vld [tilespmem:$0xF80]  }
0x75: {  	v24 =	vld [tilespmem:$0x1000]  }
0x76: {  	v25 =	vld [tilespmem:$0x1080];
	v19 =	vmul.u32 v0, v19;
	v20 =	vmul.u32 v37, v20  }
0x77: {  	v26 =	vld [tilespmem:$0x1100];
	v21 =	vmul.u32 v38, v21  }
0x78: {  	v40 =	vld [tilespmem:$0x1180];
	v19 =	vadd.s32 v20, v19;
	v20 =	vmul.u32 v39, v22  }
0x79: {  	v43 =	vld [tilespmem:$0x1200];
	v42 =	vmul.u32 v41, v23;
	v19 =	vadd.s32 v21, v19  }
0x7a: {  	v45 =	vld [tilespmem:$0x1280];
	v19 =	vadd.s32 v20, v19;
	v20 =	vmul.u32 v44, v24  }
0x7b: {  	v48 =	vld [tilespmem:$0x1300];
	v47 =	vmul.u32 v46, v25;
	v19 =	vadd.s32 v42, v19  }
0x7c: {  	v50 =	vld [tilespmem:$0x1380];
	v19 =	vadd.s32 v20, v19;
	v20 =	vmul.u32 v49, v26  }
0x7d: {  	v53 =	vld [tilespmem:$0x1400];
	v52 =	vmul.u32 v51, v40;
	v19 =	vadd.s32 v47, v19  }
0x7e: {  	v55 =	vld [tilespmem:$0x1480];
	v19 =	vadd.s32 v20, v19;
	v20 =	vmul.u32 v54, v43  }
0x7f: {  	v57 =	vmul.u32 v56, v45;
	v19 =	vadd.s32 v52, v19  }
0x80: {  	v19 =	vadd.s32 v20, v19;
	v20 =	vmul.u32 v58, v48  }
0x81: {  	v60 =	vmul.u32 v59, v50;
	v19 =	vadd.s32 v57, v19  }
0x82: {  	v19 =	vadd.s32 v20, v19;
	v20 =	vmul.u32 v61, v53  }
0x83: {  	v63 =	vmul.u32 v62, v55;
	v19 =	vadd.s32 v60, v19  }
0x84: {  	v19 =	vadd.s32 v20, v19  }
0x85: {  	v19 =	vadd.s32 v63, v19  }
0x86: {  	(xrf0) =	vadd.scan.msk.s32 $0xffff, v19;
	_ =	sdelay $0x5  }
0x87: {  	v19, _, _ =	vpop (xrf0)  }
0x88: {  	(v2sf) =	vpush v19, $0xF;
	_ =	sdelay $0xa  }
.Ltmp3:
0x89: {  	_ = 	snop;
	(pc) =	sbr.rel @!p1 .LBB2_6-.Ltmp3, $3  }
0x8a: {  	_ =	sdelay $0x1  }
0x8b: {  	p2 =	por $0x0, $0x0  }
0x8c: {  	s0 =	sadd.s32 $0xFFFFFFFF, s16;
	[smem:$0x7EF] =	sst s2;
	v19 =	vld [tilespmem:s21+$0x0];
	s22 =	spop (v2sf)  }
0x8d: {  	_ =	sdelay $0x3  }
0x8e: {  	vm1 =	vlt.f32 v19, $0.0e+00;
	vm2 =	vgt.f32 v19, $0.0e+00  }
0x8f: {  	vm1 =	vmor vm2, vm1  }
0x90: {  	v19 =	vsel vm1, $0x1, v16  }
0x91: {  	(xrf0) =	vadd.scan.msk.s32 $0xffff, v19;
	_ =	sdelay $0x2  }
0x92: {  	v19 =	vmov s22  }
0x93: {  	v19 =	vadd.s32 $0xFFFFFFFF, v19  }
0x94: {  	v19 =	vbroadcast v19, $0x0  }
0x95: {  	v20, _, _ =	vpop (xrf0)  }
0x96: {  	v19 =	vadd.s32 v20, v19;
	(v2sf) =	vpush v20, $0xF  }
0x97: {  	vm2 =	vlt.s32 v19, $0x7D0  }
0x98: {  	vm1 =	vmand vm1, vm2;
	_ =	sdelay $0x1  }
0x99: {  	p1 =	sne.s32 s0, $0x1  }
.Ltmp4:
0x9a: {  	_ = 	snop;
	(pc) =	sbr.rel @!p1 .LBB2_8-.Ltmp4, $4  }
0x9b: {  	s15 =	rddreg [dreg:$0x6]  }
0x9c: {  	v21 =	vor.u32 s15, v14  }
0x9d: {  	s24 =	sadd.s32 $0x10, s21;
	[tilespmem:v19+s20+$0x0] =	vst.idx.msk vm1, v21  }
0x9e: {  	s25 =	sadd.s32 $0xFFFFFFFF, s0;
	p2 =	por $0x1, $0x1;
	s0 =	smov.u32 s22;
	v19 =	vld [tilespmem:s24+$0x0]  }
.LBB2_9:
0x9f: {  	p1 =	sne.s32 s25, $0x1;
	_ =	sdelay $0x3  }
0xa0: {  	vm1 =	vlt.f32 v19, $0.0e+00;
	vm2 =	vgt.f32 v19, $0.0e+00  }
0xa1: {  	vm1 =	vmor vm2, vm1;
	s21 =	spop (v2sf)  }
0xa2: {  	v19 =	vsel vm1, $0x1, v16;
	s0 =	sadd.s32 s0, s21  }
0xa3: {  	v20 =	vmov s0;
	(xrf0) =	vadd.scan.msk.s32 $0xffff, v19  }
0xa4: {  	v19 =	vadd.s32 $0xFFFFFFFF, v20  }
0xa5: {  	v19 =	vbroadcast v19, $0x0;
	_ =	sdelay $0x3  }
0xa6: {  	v20, _, _ =	vpop (xrf0)  }
0xa7: {  	v19 =	vadd.s32 v20, v19;
	(v2sf) =	vpush v20, $0xF  }
0xa8: {  	vm2 =	vlt.s32 v19, $0x7D0  }
0xa9: {  	vm1 =	vmand vm1, vm2;
	_ =	sdelay $0x2  }
.Ltmp5:
0xaa: {  	(pc) =	sbr.rel @p1 .LBB2_9-.Ltmp5, $4  }
0xab: {  	s15 =	sadd.s32 $0x10, s15  }
0xac: {  	v20 =	vor.u32 s15, v14  }
0xad: {  	s24 =	sadd.s32 $0x10, s24;
	[tilespmem:v19+s20+$0x0] =	vst.idx.msk vm1, v20  }
0xae: {  	s25 =	sadd.s32 $0xFFFFFFFF, s25;
	v19 =	vld [tilespmem:s24+$0x0]  }
.LBB2_10:
0xaf: {  	_ =	sdelay $0x3  }
0xb0: {  	vm1 =	vlt.f32 v19, $0.0e+00;
	vm2 =	vgt.f32 v19, $0.0e+00  }
0xb1: {  	vm1 =	vmor vm2, vm1  }
0xb2: {  	v19 =	vsel vm1, $0x1, v16  }
0xb3: {  	(xrf0) =	vadd.scan.msk.s32 $0xffff, v19;
	_ =	sdelay $0x4  }
0xb4: {  	s21 =	spop @p2 (v2sf)  }
0xb5: {  	s0 =	sadd.s32 @p2 s0, s21;
	v19, _, _ =	vpop (xrf0)  }
0xb6: {  	s22 =	smov.u32 @p2 s0;
	(v2sf) =	vpush v19, $0xF  }
0xb7: {  	v20 =	vmov s22  }
0xb8: {  	v20 =	vadd.s32 $0xFFFFFFFF, v20  }
0xb9: {  	v20 =	vbroadcast v20, $0x0;
	_ =	sdelay $0x1  }
0xba: {  	v19 =	vadd.s32 v19, v20  }
0xbb: {  	vm2 =	vlt.s32 v19, $0x7D0  }
0xbc: {  	vm1 =	vmand vm1, vm2;
	_ =	sdelay $0x2  }
0xbd: {  	s0 =	sadd.s32 @p2 $0x10, s15;
	s15 =	rddreg [dreg:$0x6]  }
0xbe: {  	s15 =	smov.u32 @p2 s0  }
0xbf: {  	v33 =	vor.u32 s15, v14  }
0xc0: {  	s25 =	simm.s32 $0x80;
	s16 =	simm.s32 $0x400;
	s0 =	rddreg [dreg:$0x8];
	[tilespmem:v19+s20+$0x0] =	vst.idx.msk vm1, v33  }
0xc1: {  	[spmem:s0] =	stream.strided.scatter [tilespmem:s20], [sflag:$0x7], $0x800, s16, s25, $0x38;
	[tilespmem:$0x1A610] =	vst v63  }
0xc2: {  	s24 =	spop (v2sf)  }
0xc3: {  	_ =	swait.ge [sflag:s12], $0x800  }
0xc4: {  	[sflag:s12] =	ssyncset.done $0x0  }
0xc5: {  	[sflag:s12] =	ssyncadd.s32 $0xFFFFF800  }
0xc6: {  	[bflag:$0x0] =	sbarrier.arrive $0xFFFF  }
0xc7: {  	s30 =	simm.s32 $0x4000;
	s31 =	simm.s32 $0x1580;
	s28 =	rddreg [dreg:$0x9]  }
0xc8: {  	[tilespmem:s31], [sflag:$0x7] =	stream.strided.gather [spmem:s28], $0x800, s30, s16, $0x38;
	[tilespmem:$0x1A610] =	vst v63  }
0xc9: {  	_ =	swait.ge [sflag:s12], $0x800  }
0xca: {  	[sflag:s12] =	ssyncset.done $0x0  }
0xcb: {  	[sflag:s12] =	ssyncadd.s32 $0xFFFFF800  }
0xcc: {  	v20 =	vld [tilespmem:$0x1580]  }
0xcd: {  	v22 =	vld [tilespmem:$0x1600]  }
0xce: {  	v23 =	vld [tilespmem:$0x1680]  }
0xcf: {  	v25 =	vld [tilespmem:$0x1700]  }
0xd0: {  	v26 =	vld [tilespmem:$0x1780]  }
0xd1: {  	v27 =	vld [tilespmem:$0x1800]  }
0xd2: {  	v28 =	vld [tilespmem:$0x1880]  }
0xd3: {  	v29 =	vld [tilespmem:$0x1900]  }
0xd4: {  	v30 =	vld [tilespmem:$0x1980]  }
0xd5: {  	v31 =	vld [tilespmem:$0x1A00]  }
0xd6: {  	v32 =	vld [tilespmem:$0x1A80]  }
0xd7: {  	v33 =	vld [tilespmem:$0x1B00]  }
0xd8: {  	v36 =	vld [tilespmem:$0x1B80]  }
0xd9: {  	v60 =	vld [tilespmem:$0x1C00]  }
0xda: {  	v0 =	vld [tilespmem:$0x1C80]  }
0xdb: {  	v34 =	vld [tilespmem:$0x1D00]  }
0xdc: {  	v38 =	vld [tilespmem:$0x1590]  }
0xdd: {  	v39 =	vld [tilespmem:$0x1610]  }
0xde: {  	v40 =	vld [tilespmem:$0x1690]  }
0xdf: {  	v41 =	vld [tilespmem:$0x1710]  }
0xe0: {  	v42 =	vld [tilespmem:$0x1790]  }
0xe1: {  	v43 =	vld [tilespmem:$0x1810]  }
0xe2: {  	v44 =	vld [tilespmem:$0x1890]  }
0xe3: {  	v45 =	vld [tilespmem:$0x1910]  }
0xe4: {  	v46 =	vld [tilespmem:$0x1990]  }
0xe5: {  	v47 =	vld [tilespmem:$0x1A10]  }
0xe6: {  	v48 =	vld [tilespmem:$0x1A90]  }
0xe7: {  	v49 =	vld [tilespmem:$0x1B10]  }
0xe8: {  	v50 =	vld [tilespmem:$0x1B90]  }
0xe9: {  	v51 =	vld [tilespmem:$0x1C10]  }
0xea: {  	v52 =	vld [tilespmem:$0x1C90]  }
0xeb: {  	v53 =	vld [tilespmem:$0x1D10]  }
0xec: {  	v54 =	vld [tilespmem:$0x15A0]  }
0xed: {  	v55 =	vld [tilespmem:$0x1620]  }
0xee: {  	v56 =	vld [tilespmem:$0x16A0]  }
0xef: {  	v57 =	vld [tilespmem:$0x1720]  }
0xf0: {  	v58 =	vld [tilespmem:$0x17A0]  }
0xf1: {  	v59 =	vld [tilespmem:$0x1820]  }
0xf2: {  	v35 =	vld [tilespmem:$0x18A0]  }
0xf3: {  	v37 =	vld [tilespmem:$0x1920]  }
0xf4: {  	v61 =	vld [tilespmem:$0x19A0]  }
0xf5: {  	v62 =	vld [tilespmem:$0x1A20]  }
0xf6: {  	v63 =	vld [tilespmem:$0x1AA0]  }
0xf7: {  	v4 =	vld [tilespmem:$0x1B20]  }
0xf8: {  	v5 =	vld [tilespmem:$0x1BA0]  }
0xf9: {  	v6 =	vld [tilespmem:$0x1C20]  }
0xfa: {  	v7 =	vld [tilespmem:$0x1CA0]  }
0xfb: {  	v8 =	vld [tilespmem:$0x1D20]  }
0xfc: {  	v10 =	vld [tilespmem:$0x1730]  }
0xfd: {  	v12 =	vld [tilespmem:$0x17B0]  }
0xfe: {  	v15 =	vld [tilespmem:$0x1830]  }
0xff: {  	v18 =	vld [tilespmem:$0x18B0]  }
0x100: {  	v21 =	vld [tilespmem:$0x1930]  }
0x101: {  	v9 =	vld [tilespmem:$0x1AB0]  }
0x102: {  	v11 =	vld [tilespmem:$0x1B30]  }
0x103: {  	v24 =	vld [tilespmem:$0x1BB0]  }
0x104: {  	v1 =	vld [tilespmem:$0x15C0]  }
0x105: {  	v2 =	vld [tilespmem:$0x16C0]  }
0x106: {  	v3 =	vld [tilespmem:$0x1740]  }
0x107: {  	v13 =	vld [tilespmem:$0x19C0]  }
0x108: {  	v17 =	vld [tilespmem:$0x1A40]  }
0x109: {  	v19 =	vld [tilespmem:$0x1AC0]  }
0x10a: {  	[tilespmem:$0x1FE20] =	vst v7;
	v7 =	vld [tilespmem:$0x15B0]  }
0x10b: {  	[tilespmem:$0x1FDE0] =	vst v5;
	v5 =	vld [tilespmem:$0x1630]  }
0x10c: {  	[tilespmem:$0x1FE40] =	vst v8;
	v8 =	vld [tilespmem:$0x16B0]  }
0x10d: {  	[tilespmem:$0x1FD60] =	vst v34;
	v34 =	vld [tilespmem:$0x19B0]  }
0x10e: {  	[tilespmem:$0x1FD80] =	vst v37;
	v37 =	vld [tilespmem:$0x1A30]  }
0x10f: {  	[tilespmem:$0x1FD70] =	vst v35;
	v35 =	vld [tilespmem:$0x1C30]  }
0x110: {  	[tilespmem:$0x1FD90] =	vst v61;
	v61 =	vld [tilespmem:$0x1CB0]  }
0x111: {  	[tilespmem:$0x1FDA0] =	vst v62;
	v62 =	vld [tilespmem:$0x1D30]  }
0x112: {  	[tilespmem:$0x1FD50] =	vst v0;
	v0 =	vld [tilespmem:$0x1640]  }
0x113: {  	[tilespmem:$0x1FDC0] =	vst v4;
	v4 =	vld [tilespmem:$0x17C0]  }
0x114: {  	[tilespmem:$0x1FDB0] =	vst v63;
	v63 =	vld [tilespmem:$0x16D0]  }
0x115: {  	[tilespmem:$0x1FE00] =	vst v6;
	v6 =	vld [tilespmem:$0x1840]  }
0x116: {  	[tilespmem:$0x1FDD0] =	vst v9;
	v9 =	vld [tilespmem:$0x18C0]  }
0x117: {  	[tilespmem:$0x1FDF0] =	vst v11;
	v11 =	vld [tilespmem:$0x1940]  }
0x118: {  	[tilespmem:$0x1FE10] =	vst v24;
	v24 =	vld [tilespmem:$0x1B40]  }
0x119: {  	v20 =	vadd.s32 v20, v22;
	[tilespmem:$0x1FEA0] =	vst v63;
	v63 =	vld [tilespmem:$0x1750]  }
0x11a: {  	v22 =	vld [tilespmem:$0x1950];
	v20 =	vadd.s32 v23, v20  }
0x11b: {  	v20 =	vadd.s32 v25, v20;
	v25 =	vld [tilespmem:$0x1BD0]  }
0x11c: {  	v20 =	vadd.s32 v26, v20;
	v26 =	vld [tilespmem:$0x1B50]  }
0x11d: {  	v20 =	vadd.s32 v27, v20;
	v27 =	vld [tilespmem:$0x1CD0]  }
0x11e: {  	[tilespmem:$0x1FEB0] =	vst v63;
	v63 =	vld [tilespmem:$0x17D0]  }
0x11f: {  	[tilespmem:$0x1FE30] =	vst v35;
	v35 =	vld [tilespmem:$0x1BC0]  }
0x120: {  	[tilespmem:$0x1FE50] =	vst v61;
	v61 =	vld [tilespmem:$0x1C40]  }
0x121: {  	[tilespmem:$0x1FE60] =	vst v62;
	v62 =	vld [tilespmem:$0x1CC0]  }
0x122: {  	v5 =	vadd.s32 v7, v5;
	v7 =	vld [tilespmem:$0x18E0]  }
0x123: {  	v20 =	vadd.s32 v28, v20;
	[tilespmem:$0x1FEC0] =	vst v63;
	v63 =	vld [tilespmem:$0x1850]  }
0x124: {  	v0 =	vadd.s32 v1, v0;
	v1 =	vld [tilespmem:$0x1960];
	v20 =	vadd.s32 v29, v20;
	v5 =	vadd.s32 v8, v5  }
0x125: {  	v0 =	vadd.s32 v2, v0;
	v20 =	vadd.s32 v30, v20;
	v30 =	vld [tilespmem:$0x15E0];
	v5 =	vadd.s32 v10, v5  }
0x126: {  	v0 =	vadd.s32 v3, v0;
	v5 =	vadd.s32 v12, v5;
	v12 =	vld [tilespmem:$0x1FDC0]  }
0x127: {  	v0 =	vadd.s32 v4, v0;
	[tilespmem:$0x1FE70] =	vst v62;
	v62 =	vld [tilespmem:$0x1D40]  }
0x128: {  	v0 =	vadd.s32 v6, v0;
	[tilespmem:$0x1FED0] =	vst v63;
	v63 =	vld [tilespmem:$0x18D0]  }
0x129: {  	v5 =	vadd.s32 v15, v5;
	v15 =	vld [tilespmem:$0x1FE00];
	v0 =	vadd.s32 v9, v0  }
0x12a: {  	v5 =	vadd.s32 v18, v5;
	v18 =	vld [tilespmem:$0x1FE40];
	v0 =	vadd.s32 v11, v0  }
0x12b: {  	v5 =	vadd.s32 v21, v5;
	v0 =	vadd.s32 v13, v0;
	v13 =	vld [tilespmem:$0x1FDE0]  }
0x12c: {  	v5 =	vadd.s32 v34, v5;
	v34 =	vld [tilespmem:$0x1A70];
	[tilespmem:$0x1FE90] =	vst v62  }
0x12d: {  	v0 =	vadd.s32 v17, v0;
	v62 =	vld [tilespmem:$0x15D0];
	[tilespmem:$0x1FEE0] =	vst v63;
	v63 =	vadd.s32 v38, v39  }
0x12e: {  	v17 =	vld [tilespmem:$0x1FE20];
	v0 =	vadd.s32 v19, v0;
	v23 =	vadd.s32 v40, v63  }
0x12f: {  	v19 =	vld [tilespmem:$0x1FE60];
	v0 =	vadd.s32 v24, v0;
	v23 =	vadd.s32 v41, v23  }
0x130: {  	v0 =	vadd.s32 v35, v0;
	v35 =	vld [tilespmem:$0x1AF0];
	v23 =	vadd.s32 v42, v23  }
0x131: {  	v0 =	vadd.s32 v61, v0;
	v61 =	vld [tilespmem:$0x1FEB0];
	v23 =	vadd.s32 v43, v23  }
0x132: {  	[tilespmem:$0x1FE80] =	vst v62;
	v62 =	vld [tilespmem:$0x1650];
	v43 =	vadd.s32 v44, v23  }
0x133: {  	v38 =	vld [tilespmem:$0x19D0];
	v44 =	vadd.s32 v45, v43  }
0x134: {  	v39 =	vld [tilespmem:$0x1A50];
	v28 =	vadd.s32 v46, v44  }
0x135: {  	v40 =	vld [tilespmem:$0x1AD0];
	v28 =	vadd.s32 v47, v28  }
0x136: {  	v63 =	vadd.s32 v54, v55;
	v54 =	vld [tilespmem:$0x1FDB0];
	v28 =	vadd.s32 v48, v28  }
0x137: {  	v55 =	vld [tilespmem:$0x1CE0];
	v28 =	vadd.s32 v49, v28  }
0x138: {  	v45 =	vadd.s32 v31, v20;
	v28 =	vadd.s32 v50, v28;
	v50 =	vld [tilespmem:$0x1FD50]  }
0x139: {  	v41 =	vadd.s32 v56, v63;
	v56 =	vld [tilespmem:$0x17F0];
	v29 =	vadd.s32 v32, v45  }
0x13a: {  	v63 =	vld [tilespmem:$0x1FED0];
	v29 =	vadd.s32 v33, v29  }
0x13b: {  	v46 =	vld [tilespmem:$0x1FD70];
	v29 =	vadd.s32 v36, v29  }
0x13c: {  	v48 =	vld [tilespmem:$0x1FD80];
	v29 =	vadd.s32 v60, v29  }
0x13d: {  	v41 =	vadd.s32 v57, v41;
	v28 =	vadd.s32 v51, v28;
	v29 =	vadd.s32 v50, v29;
	v50 =	vld [tilespmem:$0x1FD90]  }
0x13e: {  	v43 =	vadd.s32 v58, v41;
	v28 =	vadd.s32 v52, v28;
	v52 =	vld [tilespmem:$0x1FDA0]  }
0x13f: {  	v42 =	vld [tilespmem:$0x1860];
	v8 =	vadd.s32 v59, v43  }
0x140: {  	v57 =	vld [tilespmem:$0x1FE90];
	v8 =	vadd.s32 v46, v8  }
0x141: {  	v23 =	vld [tilespmem:$0x1C50];
	v8 =	vadd.s32 v48, v8  }
0x142: {  	v20 =	vld [tilespmem:$0x1D50];
	v8 =	vadd.s32 v50, v8  }
0x143: {  	v31 =	vld [tilespmem:$0x1660];
	v8 =	vadd.s32 v52, v8  }
0x144: {  	v58 =	vld [tilespmem:$0x1FEA0];
	v8 =	vadd.s32 v54, v8  }
0x145: {  	v8 =	vadd.s32 v12, v8;
	v12 =	vld [tilespmem:$0x1FDD0]  }
0x146: {  	v8 =	vadd.s32 v13, v8;
	v13 =	vld [tilespmem:$0x1FDF0]  }
0x147: {  	v8 =	vadd.s32 v15, v8;
	v15 =	vld [tilespmem:$0x1FE10]  }
0x148: {  	v8 =	vadd.s32 v17, v8;
	v17 =	vld [tilespmem:$0x1FE30]  }
0x149: {  	v5 =	vadd.s32 v37, v5;
	v8 =	vadd.s32 v18, v8;
	v18 =	vld [tilespmem:$0x1FE50]  }
0x14a: {  	v32 =	vld [tilespmem:$0x16E0];
	v5 =	vadd.s32 v12, v5  }
0x14b: {  	v44 =	vld [tilespmem:$0x19E0];
	v5 =	vadd.s32 v13, v5  }
0x14c: {  	v45 =	vld [tilespmem:$0x1A60];
	v5 =	vadd.s32 v15, v5  }
0x14d: {  	v33 =	vld [tilespmem:$0x1760];
	v5 =	vadd.s32 v17, v5  }
0x14e: {  	v47 =	vld [tilespmem:$0x1AE0];
	v5 =	vadd.s32 v18, v5  }
0x14f: {  	v5 =	vadd.s32 v19, v5;
	v19 =	vld [tilespmem:$0x1FE70]  }
0x150: {  	v36 =	vld [tilespmem:$0x17E0]  }
0x151: {  	v60 =	vld [tilespmem:$0x1FD60]  }
0x152: {  	v49 =	vld [tilespmem:$0x1B60]  }
0x153: {  	v51 =	vld [tilespmem:$0x1BE0]  }
0x154: {  	v0 =	vadd.s32 v19, v0;
	v19 =	vld [tilespmem:$0x1FE80]  }
0x155: {  	v13 =	vld [tilespmem:$0x15F0]  }
0x156: {  	v15 =	vld [tilespmem:$0x1670]  }
0x157: {  	v17 =	vld [tilespmem:$0x16F0]  }
0x158: {  	v59 =	vadd.s32 v30, v31;
	v18 =	vld [tilespmem:$0x1770]  }
0x159: {  	v24 =	vadd.s32 v32, v59;
	v19 =	vadd.s32 v19, v62;
	v62 =	vld [tilespmem:$0x1FEC0]  }
0x15a: {  	v24 =	vadd.s32 v33, v24;
	v33 =	vld [tilespmem:$0x1FEE0]  }
0x15b: {  	v28 =	vadd.s32 v53, v28;
	v29 =	vadd.s32 v60, v29;
	v60 =	vld [tilespmem:$0x1870]  }
0x15c: {  	v24 =	vadd.s32 v36, v24;
	v13 =	vadd.s32 v13, v15;
	v15 =	vld [tilespmem:$0x18F0];
	v19 =	vadd.s32 v58, v19  }
0x15d: {  	v24 =	vadd.s32 v42, v24;
	v13 =	vadd.s32 v17, v13;
	v17 =	vld [tilespmem:$0x1970];
	v19 =	vadd.s32 v61, v19  }
0x15e: {  	v7 =	vadd.s32 v7, v24;
	v13 =	vadd.s32 v18, v13;
	v18 =	vld [tilespmem:$0x19F0];
	v19 =	vadd.s32 v62, v19  }
0x15f: {  	v53 =	vld [tilespmem:$0x1C60];
	v1 =	vadd.s32 v1, v7;
	v13 =	vadd.s32 v56, v13;
	v19 =	vadd.s32 v63, v19  }
0x160: {  	v1 =	vadd.s32 v44, v1;
	v12 =	vld [tilespmem:$0x1D60];
	v13 =	vadd.s32 v60, v13;
	v19 =	vadd.s32 v33, v19  }
0x161: {  	v1 =	vadd.s32 v45, v1;
	v36 =	vadd.s32 v15, v13;
	v13 =	vld [tilespmem:$0x1B70];
	v19 =	vadd.s32 v22, v19  }
0x162: {  	v1 =	vadd.s32 v47, v1;
	v37 =	vadd.s32 v17, v36;
	v19 =	vadd.s32 v38, v19;
	v38 =	vld [tilespmem:$0x1BF0]  }
0x163: {  	v1 =	vadd.s32 v49, v1;
	v2 =	vadd.s32 v18, v37;
	v15 =	vadd.s32 v39, v19;
	v39 =	vld [tilespmem:$0x1C70]  }
0x164: {  	[tilespmem:$0x1D90] =	vst v28;
	v1 =	vadd.s32 v51, v1;
	v2 =	vadd.s32 v34, v2;
	v15 =	vadd.s32 v40, v15;
	v40 =	vld [tilespmem:$0x1CF0]  }
0x165: {  	v41 =	vld [tilespmem:$0x1D70];
	[tilespmem:$0x1D80] =	vst v29;
	v1 =	vadd.s32 v53, v1;
	v2 =	vadd.s32 v35, v2;
	v15 =	vadd.s32 v26, v15  }
0x166: {  	v1 =	vadd.s32 v55, v1;
	[tilespmem:$0x1DA0] =	vst v8;
	v2 =	vadd.s32 v13, v2;
	v15 =	vadd.s32 v25, v15  }
0x167: {  	v45 =	vadd.s32 v12, v1;
	[tilespmem:$0x1DB0] =	vst v5;
	v42 =	vadd.s32 v23, v15;
	v2 =	vadd.s32 v38, v2  }
0x168: {  	[tilespmem:$0x1DE0] =	vst v45;
	v0 =	vadd.s32 v57, v0;
	v43 =	vadd.s32 v27, v42;
	v2 =	vadd.s32 v39, v2  }
0x169: {  	[tilespmem:$0x1DC0] =	vst v0;
	v44 =	vadd.s32 v20, v43;
	v46 =	vadd.s32 v40, v2  }
0x16a: {  	[tilespmem:$0x1DD0] =	vst v44;
	v47 =	vadd.s32 v41, v46  }
0x16b: {  	s2 =	rddreg [dreg:$0x13];
	[tilespmem:$0x1DF0] =	vst v47  }
0x16c: {  	v0 =	vld.msk [tilespmem:s2+$0x0], $0xff;
	_ =	sdelay $0x2  }
0x16d: {  	v49 =	vld [tilespmem:$0x1FFE0];
	_ =	sdelay $0x1  }
0x16e: {  	v50 =	vld [tilespmem:$0x1FFF0];
	v48 =	vshll.u32 v0, $0x5  }
0x16f: {  	v0 =	vand.u32 $0x7, v0;
	v1 =	vand.u32 $0xFFFFFF00, v48  }
0x170: {  	v0 =	vor.u32 v0, v1  }
0x171: {  	v0 =	vperm.xlane v0, v49;
	_ =	sdelay $0x1  }
0x172: {  	v0 =	vadd.s32 v50, v0;
	_ =	sdelay $0x2  }
0x173: {  	s30 =	rddreg [dreg:$0x1d]  }
0x174: {  	s24 =	simm.s32 $0x1E00;
	s28 =	rddreg [dreg:$0x0]  }
0x175: {  	[tilespmem:s24], [sflag:$0x1] =	stream.indirect_vreg.gather [hbm4b:s28+s1], $0x80, v0, vm0, $0xb8;
	[tilespmem:$0x1A610] =	vst v63  }
0x176: {  	s3 =	simm.s32 $0x2600;
	s31 =	rddreg [dreg:$0x1e]  }
0x177: {  	[tilespmem:s3], [sflag:$0x1] =	stream.indirect_vreg.gather [hbm4b:s30+s1], $0x80, v0, vm0, $0xb8;
	[tilespmem:$0x1A610] =	vst v63  }
0x178: {  	s4 =	simm.s32 $0x2E00;
	s13 =	rddreg [dreg:$0x1f]  }
0x179: {  	[tilespmem:s4], [sflag:$0x1] =	stream.indirect_vreg.gather [hbm4b:s31+s1], $0x80, v0, vm0, $0xb8;
	[tilespmem:$0x1A610] =	vst v63  }
0x17a: {  	s5 =	simm.s32 $0x3600;
	s14 =	sld [smem:$0x7F0]  }
0x17b: {  	[tilespmem:s5], [sflag:$0x1] =	stream.indirect_vreg.gather [hbm4b:s13+s1], $0x80, v0, vm0, $0xb8;
	[tilespmem:$0x1A610] =	vst v63  }
0x17c: {  	s6 =	simm.s32 $0x3E00;
	s2 =	sld [smem:$0x7F1]  }
0x17d: {  	[tilespmem:s6], [sflag:$0x1] =	stream.indirect_vreg.gather [hbm4b:s14+s1], $0x80, v0, vm0, $0xb8;
	[tilespmem:$0x1A610] =	vst v63  }
0x17e: {  	s7 =	simm.s32 $0x4600;
	s3 =	sld [smem:$0x7F2]  }
0x17f: {  	[tilespmem:s7], [sflag:$0x1] =	stream.indirect_vreg.gather [hbm4b:s2+s1], $0x80, v0, vm0, $0xb8;
	[tilespmem:$0x1A610] =	vst v63  }
0x180: {  	s8 =	simm.s32 $0x4E00;
	s4 =	sld [smem:$0x7F3]  }
0x181: {  	[tilespmem:s8], [sflag:$0x1] =	stream.indirect_vreg.gather [hbm4b:s3+s1], $0x80, v0, vm0, $0xb8;
	[tilespmem:$0x1A610] =	vst v63  }
0x182: {  	s9 =	simm.s32 $0x5600;
	s6 =	sld [smem:$0x7F4]  }
0x183: {  	[tilespmem:s9], [sflag:$0x1] =	stream.indirect_vreg.gather [hbm4b:s4+s1], $0x80, v0, vm0, $0xb8;
	[tilespmem:$0x1A610] =	vst v63  }
0x184: {  	s10 =	simm.s32 $0x5E00;
	s7 =	sld [smem:$0x7F5]  }
0x185: {  	[tilespmem:s10], [sflag:$0x1] =	stream.indirect_vreg.gather [hbm4b:s6+s1], $0x80, v0, vm0, $0xb8;
	[tilespmem:$0x1A610] =	vst v63  }
0x186: {  	s11 =	simm.s32 $0x6600;
	s8 =	sld [smem:$0x7F6]  }
0x187: {  	[tilespmem:s11], [sflag:$0x1] =	stream.indirect_vreg.gather [hbm4b:s7+s1], $0x80, v0, vm0, $0xb8;
	[tilespmem:$0x1A610] =	vst v63  }
0x188: {  	s12 =	simm.s32 $0x6E00;
	s9 =	sld [smem:$0x7F7]  }
0x189: {  	[tilespmem:s12], [sflag:$0x1] =	stream.indirect_vreg.gather [hbm4b:s8+s1], $0x80, v0, vm0, $0xb8;
	[tilespmem:$0x1A610] =	vst v63  }
0x18a: {  	s15 =	simm.s32 $0x7600;
	s10 =	sld [smem:$0x7F8]  }
0x18b: {  	[tilespmem:s15], [sflag:$0x1] =	stream.indirect_vreg.gather [hbm4b:s9+s1], $0x80, v0, vm0, $0xb8;
	[tilespmem:$0x1A610] =	vst v63  }
0x18c: {  	s17 =	simm.s32 $0x7E00;
	s11 =	sld [smem:$0x7F9]  }
0x18d: {  	[tilespmem:s17], [sflag:$0x1] =	stream.indirect_vreg.gather [hbm4b:s10+s1], $0x80, v0, vm0, $0xb8;
	[tilespmem:$0x1A610] =	vst v63  }
0x18e: {  	s21 =	simm.s32 $0x8600;
	s5 =	sld [smem:$0x7FA]  }
0x18f: {  	[tilespmem:s21], [sflag:$0x1] =	stream.indirect_vreg.gather [hbm4b:s11+s1], $0x80, v0, vm0, $0xb8;
	[tilespmem:$0x1A610] =	vst v63  }
0x190: {  	s22 =	simm.s32 $0x8E00;
	s15 =	sld [smem:$0x7FB]  }
0x191: {  	[tilespmem:s22], [sflag:$0x1] =	stream.indirect_vreg.gather [hbm4b:s5+s1], $0x80, v0, vm0, $0xb8;
	[tilespmem:$0x1A610] =	vst v63  }
0x192: {  	s25 =	simm.s32 $0x9600;
	s12 =	rddreg [dreg:$0x14]  }
0x193: {  	[tilespmem:s25], [sflag:$0x1] =	stream.indirect_vreg.gather [hbm4b:s15+s1], $0x80, v0, vm0, $0xb8;
	[tilespmem:$0x1A610] =	vst v63  }
0x194: {  	v0 =	vld.msk [tilespmem:s12+$0x0], $0xff;
	_ =	sdelay $0x4  }
0x195: {  	v51 =	vshll.u32 v0, $0x5  }
0x196: {  	v0 =	vand.u32 $0x7, v0;
	v1 =	vand.u32 $0xFFFFFF00, v51  }
0x197: {  	v0 =	vor.u32 v0, v1  }
0x198: {  	v0 =	vperm.xlane v0, v49;
	_ =	sdelay $0x1  }
0x199: {  	v0 =	vadd.s32 v50, v0;
	_ =	sdelay $0x4  }
0x19a: {  	[tilespmem:s23], [sflag:$0x2] =	stream.indirect_vreg.gather [hbm4b:s28+s1], $0x80, v0, vm0, $0xb8;
	[tilespmem:$0x1A610] =	vst v63  }
0x19b: {  	s21 =	simm.s32 $0xA600  }
0x19c: {  	[tilespmem:s21], [sflag:$0x2] =	stream.indirect_vreg.gather [hbm4b:s30+s1], $0x80, v0, vm0, $0xb8;
	[tilespmem:$0x1A610] =	vst v63  }
0x19d: {  	s22 =	simm.s32 $0xAE00  }
0x19e: {  	[tilespmem:s22], [sflag:$0x2] =	stream.indirect_vreg.gather [hbm4b:s31+s1], $0x80, v0, vm0, $0xb8;
	[tilespmem:$0x1A610] =	vst v63  }
0x19f: {  	s25 =	simm.s32 $0xB600  }
0x1a0: {  	[tilespmem:s25], [sflag:$0x2] =	stream.indirect_vreg.gather [hbm4b:s13+s1], $0x80, v0, vm0, $0xb8;
	[tilespmem:$0x1A610] =	vst v63  }
0x1a1: {  	s12 =	simm.s32 $0xBE00  }
0x1a2: {  	[tilespmem:s12], [sflag:$0x2] =	stream.indirect_vreg.gather [hbm4b:s14+s1], $0x80, v0, vm0, $0xb8;
	[tilespmem:$0x1A610] =	vst v63  }
0x1a3: {  	s21 =	simm.s32 $0xC600  }
0x1a4: {  	[tilespmem:s21], [sflag:$0x2] =	stream.indirect_vreg.gather [hbm4b:s2+s1], $0x80, v0, vm0, $0xb8;
	[tilespmem:$0x1A610] =	vst v63  }
0x1a5: {  	s22 =	simm.s32 $0xCE00  }
0x1a6: {  	[tilespmem:s22], [sflag:$0x2] =	stream.indirect_vreg.gather [hbm4b:s3+s1], $0x80, v0, vm0, $0xb8;
	[tilespmem:$0x1A610] =	vst v63  }
0x1a7: {  	s25 =	simm.s32 $0xD600  }
0x1a8: {  	[tilespmem:s25], [sflag:$0x2] =	stream.indirect_vreg.gather [hbm4b:s4+s1], $0x80, v0, vm0, $0xb8;
	[tilespmem:$0x1A610] =	vst v63  }
0x1a9: {  	s12 =	simm.s32 $0xDE00  }
0x1aa: {  	[tilespmem:s12], [sflag:$0x2] =	stream.indirect_vreg.gather [hbm4b:s6+s1], $0x80, v0, vm0, $0xb8;
	[tilespmem:$0x1A610] =	vst v63  }
0x1ab: {  	s21 =	simm.s32 $0xE600  }
0x1ac: {  	[tilespmem:s21], [sflag:$0x2] =	stream.indirect_vreg.gather [hbm4b:s7+s1], $0x80, v0, vm0, $0xb8;
	[tilespmem:$0x1A610] =	vst v63  }
0x1ad: {  	s22 =	simm.s32 $0xEE00  }
0x1ae: {  	[tilespmem:s22], [sflag:$0x2] =	stream.indirect_vreg.gather [hbm4b:s8+s1], $0x80, v0, vm0, $0xb8;
	[tilespmem:$0x1A610] =	vst v63  }
0x1af: {  	s25 =	simm.s32 $0xF600  }
0x1b0: {  	[tilespmem:s25], [sflag:$0x2] =	stream.indirect_vreg.gather [hbm4b:s9+s1], $0x80, v0, vm0, $0xb8;
	[tilespmem:$0x1A610] =	vst v63  }
0x1b1: {  	s12 =	simm.s32 $0xFE00  }
0x1b2: {  	[tilespmem:s12], [sflag:$0x2] =	stream.indirect_vreg.gather [hbm4b:s10+s1], $0x80, v0, vm0, $0xb8;
	[tilespmem:$0x1A610] =	vst v63  }
0x1b3: {  	s21 =	simm.s32 $0x10600  }
0x1b4: {  	[tilespmem:s21], [sflag:$0x2] =	stream.indirect_vreg.gather [hbm4b:s11+s1], $0x80, v0, vm0, $0xb8;
	[tilespmem:$0x1A610] =	vst v63  }
0x1b5: {  	s22 =	simm.s32 $0x10E00  }
0x1b6: {  	[tilespmem:s22], [sflag:$0x2] =	stream.indirect_vreg.gather [hbm4b:s5+s1], $0x80, v0, vm0, $0xb8;
	[tilespmem:$0x1A610] =	vst v63  }
0x1b7: {  	s25 =	simm.s32 $0x11600;
	s22 =	simm.s32 $0x1  }
0x1b8: {  	[tilespmem:s25], [sflag:$0x2] =	stream.indirect_vreg.gather [hbm4b:s15+s1], $0x80, v0, vm0, $0xb8;
	[tilespmem:$0x1A610] =	vst v63  }
0x1b9: {  	_ =	swait.ge [sflag:s22], $0x8000  }
0x1ba: {  	[sflag:s22] =	ssyncset.done $0x0  }
0x1bb: {  	s12 =	rddreg [dreg:$0x15];
	[sflag:s22] =	ssyncadd.s32 $0xFFFF8000  }
0x1bc: {  	v52 =	vld.msk [tilespmem:s12+$0x0], $0xff;
	_ =	sdelay $0x4  }
0x1bd: {  	v53 =	vshll.u32 v52, $0x5  }
0x1be: {  	v0 =	vand.u32 $0x7, v52;
	v1 =	vand.u32 $0xFFFFFF00, v53  }
0x1bf: {  	v0 =	vor.u32 v0, v1  }
0x1c0: {  	v0 =	vperm.xlane v0, v49;
	_ =	sdelay $0x1  }
0x1c1: {  	v0 =	vadd.s32 v50, v0;
	_ =	sdelay $0x3  }
0x1c2: {  	s25 =	simm.s32 $0x11E00  }
0x1c3: {  	[tilespmem:s25], [sflag:$0x3] =	stream.indirect_vreg.gather [hbm4b:s28+s1], $0x80, v0, vm0, $0xb8;
	[tilespmem:$0x1A610] =	vst v63  }
0x1c4: {  	s12 =	simm.s32 $0x12600  }
0x1c5: {  	[tilespmem:s12], [sflag:$0x3] =	stream.indirect_vreg.gather [hbm4b:s30+s1], $0x80, v0, vm0, $0xb8;
	[tilespmem:$0x1A610] =	vst v63  }
0x1c6: {  	s21 =	simm.s32 $0x12E00  }
0x1c7: {  	[tilespmem:s21], [sflag:$0x3] =	stream.indirect_vreg.gather [hbm4b:s31+s1], $0x80, v0, vm0, $0xb8;
	[tilespmem:$0x1A610] =	vst v63  }
0x1c8: {  	s21 =	simm.s32 $0x13600  }
0x1c9: {  	[tilespmem:s21], [sflag:$0x3] =	stream.indirect_vreg.gather [hbm4b:s13+s1], $0x80, v0, vm0, $0xb8;
	[tilespmem:$0x1A610] =	vst v63  }
0x1ca: {  	s21 =	simm.s32 $0x13E00  }
0x1cb: {  	[tilespmem:s21], [sflag:$0x3] =	stream.indirect_vreg.gather [hbm4b:s14+s1], $0x80, v0, vm0, $0xb8;
	[tilespmem:$0x1A610] =	vst v63  }
0x1cc: {  	s21 =	simm.s32 $0x14600  }
0x1cd: {  	[tilespmem:s21], [sflag:$0x3] =	stream.indirect_vreg.gather [hbm4b:s2+s1], $0x80, v0, vm0, $0xb8;
	[tilespmem:$0x1A610] =	vst v63  }
0x1ce: {  	s21 =	simm.s32 $0x14E00  }
0x1cf: {  	[tilespmem:s21], [sflag:$0x3] =	stream.indirect_vreg.gather [hbm4b:s3+s1], $0x80, v0, vm0, $0xb8;
	[tilespmem:$0x1A610] =	vst v63  }
0x1d0: {  	_ = 	snop  }
0x1d1: {  	[tilespmem:s26], [sflag:$0x3] =	stream.indirect_vreg.gather [hbm4b:s4+s1], $0x80, v0, vm0, $0xb8;
	[tilespmem:$0x1A610] =	vst v63  }
0x1d2: {  	_ = 	snop  }
0x1d3: {  	[tilespmem:s29], [sflag:$0x3] =	stream.indirect_vreg.gather [hbm4b:s6+s1], $0x80, v0, vm0, $0xb8;
	[tilespmem:$0x1A610] =	vst v63  }
0x1d4: {  	s21 =	simm.s32 $0x16600  }
0x1d5: {  	[tilespmem:s21], [sflag:$0x3] =	stream.indirect_vreg.gather [hbm4b:s7+s1], $0x80, v0, vm0, $0xb8;
	[tilespmem:$0x1A610] =	vst v63  }
0x1d6: {  	s21 =	simm.s32 $0x16E00  }
0x1d7: {  	[tilespmem:s21], [sflag:$0x3] =	stream.indirect_vreg.gather [hbm4b:s8+s1], $0x80, v0, vm0, $0xb8;
	[tilespmem:$0x1A610] =	vst v63  }
0x1d8: {  	s21 =	simm.s32 $0x17600  }
0x1d9: {  	[tilespmem:s21], [sflag:$0x3] =	stream.indirect_vreg.gather [hbm4b:s9+s1], $0x80, v0, vm0, $0xb8;
	[tilespmem:$0x1A610] =	vst v63  }
0x1da: {  	s21 =	simm.s32 $0x17E00  }
0x1db: {  	[tilespmem:s21], [sflag:$0x3] =	stream.indirect_vreg.gather [hbm4b:s10+s1], $0x80, v0, vm0, $0xb8;
	[tilespmem:$0x1A610] =	vst v63  }
0x1dc: {  	s21 =	simm.s32 $0x18600  }
0x1dd: {  	[tilespmem:s21], [sflag:$0x3] =	stream.indirect_vreg.gather [hbm4b:s11+s1], $0x80, v0, vm0, $0xb8;
	[tilespmem:$0x1A610] =	vst v63  }
0x1de: {  	s21 =	simm.s32 $0x18E00  }
0x1df: {  	[tilespmem:s21], [sflag:$0x3] =	stream.indirect_vreg.gather [hbm4b:s5+s1], $0x80, v0, vm0, $0xb8;
	[tilespmem:$0x1A610] =	vst v63  }
0x1e0: {  	s21 =	simm.s32 $0x19600  }
0x1e1: {  	[tilespmem:s21], [sflag:$0x3] =	stream.indirect_vreg.gather [hbm4b:s15+s1], $0x80, v0, vm0, $0xb8;
	[tilespmem:$0x1A610] =	vst v63  }
0x1e2: {  	s21 =	rddreg [dreg:$0xa]  }
0x1e3: {  	[hbm4b:s21+s1] =	stream.linear.scatter [tilespmem:s24], [sflag:$0x4], $0x8000, $0x38;
	[tilespmem:$0x1A610] =	vst v63  }
0x1e4: {  	_ =	swait.ge [sflag:s19], $0x8000  }
0x1e5: {  	[sflag:s19] =	ssyncset.done $0x0  }
0x1e6: {  	s21 =	simm.s32 $0x4;
	[sflag:s19] =	ssyncadd.s32 $0xFFFF8000  }
0x1e7: {  	_ =	swait.ge [sflag:s21], $0x8000  }
0x1e8: {  	[sflag:s21] =	ssyncset.done $0x0  }
0x1e9: {  	s0 =	rddreg [dreg:$0x16];
	[sflag:s21] =	ssyncadd.s32 $0xFFFF8000  }
0x1ea: {  	v54 =	vld.msk [tilespmem:s0+$0x0], $0xff;
	_ =	sdelay $0x4  }
0x1eb: {  	v55 =	vshll.u32 v54, $0x5  }
0x1ec: {  	v0 =	vand.u32 $0x7, v54;
	v1 =	vand.u32 $0xFFFFFF00, v55  }
0x1ed: {  	v0 =	vor.u32 v0, v1  }
0x1ee: {  	v0 =	vperm.xlane v0, v49;
	_ =	sdelay $0x1  }
0x1ef: {  	v0 =	vadd.s32 v50, v0;
	_ =	sdelay $0x4  }
0x1f0: {  	[tilespmem:s24], [sflag:$0x1] =	stream.indirect_vreg.gather [hbm4b:s28+s1], $0x80, v0, vm0, $0xb8;
	[tilespmem:$0x1A610] =	vst v63  }
0x1f1: {  	s0 =	simm.s32 $0x2600  }
0x1f2: {  	[tilespmem:s0], [sflag:$0x1] =	stream.indirect_vreg.gather [hbm4b:s30+s1], $0x80, v0, vm0, $0xb8;
	[tilespmem:$0x1A610] =	vst v63  }
0x1f3: {  	s0 =	simm.s32 $0x2E00  }
0x1f4: {  	[tilespmem:s0], [sflag:$0x1] =	stream.indirect_vreg.gather [hbm4b:s31+s1], $0x80, v0, vm0, $0xb8;
	[tilespmem:$0x1A610] =	vst v63  }
0x1f5: {  	s0 =	simm.s32 $0x3600  }
0x1f6: {  	[tilespmem:s0], [sflag:$0x1] =	stream.indirect_vreg.gather [hbm4b:s13+s1], $0x80, v0, vm0, $0xb8;
	[tilespmem:$0x1A610] =	vst v63  }
0x1f7: {  	s0 =	simm.s32 $0x3E00  }
0x1f8: {  	[tilespmem:s0], [sflag:$0x1] =	stream.indirect_vreg.gather [hbm4b:s14+s1], $0x80, v0, vm0, $0xb8;
	[tilespmem:$0x1A610] =	vst v63  }
0x1f9: {  	s0 =	simm.s32 $0x4600  }
0x1fa: {  	[tilespmem:s0], [sflag:$0x1] =	stream.indirect_vreg.gather [hbm4b:s2+s1], $0x80, v0, vm0, $0xb8;
	[tilespmem:$0x1A610] =	vst v63  }
0x1fb: {  	s0 =	simm.s32 $0x4E00  }
0x1fc: {  	[tilespmem:s0], [sflag:$0x1] =	stream.indirect_vreg.gather [hbm4b:s3+s1], $0x80, v0, vm0, $0xb8;
	[tilespmem:$0x1A610] =	vst v63  }
0x1fd: {  	s0 =	simm.s32 $0x5600  }
0x1fe: {  	[tilespmem:s0], [sflag:$0x1] =	stream.indirect_vreg.gather [hbm4b:s4+s1], $0x80, v0, vm0, $0xb8;
	[tilespmem:$0x1A610] =	vst v63  }
0x1ff: {  	s0 =	simm.s32 $0x5E00  }
0x200: {  	[tilespmem:s0], [sflag:$0x1] =	stream.indirect_vreg.gather [hbm4b:s6+s1], $0x80, v0, vm0, $0xb8;
	[tilespmem:$0x1A610] =	vst v63  }
0x201: {  	s18 =	simm.s32 $0x6600  }
0x202: {  	[tilespmem:s18], [sflag:$0x1] =	stream.indirect_vreg.gather [hbm4b:s7+s1], $0x80, v0, vm0, $0xb8;
	[tilespmem:$0x1A610] =	vst v63  }
0x203: {  	s16 =	simm.s32 $0x6E00  }
0x204: {  	[tilespmem:s16], [sflag:$0x1] =	stream.indirect_vreg.gather [hbm4b:s8+s1], $0x80, v0, vm0, $0xb8;
	[tilespmem:$0x1A610] =	vst v63  }
0x205: {  	s18 =	simm.s32 $0x7600  }
0x206: {  	[tilespmem:s18], [sflag:$0x1] =	stream.indirect_vreg.gather [hbm4b:s9+s1], $0x80, v0, vm0, $0xb8;
	[tilespmem:$0x1A610] =	vst v63  }
0x207: {  	s16 =	simm.s32 $0x7E00  }
0x208: {  	[tilespmem:s16], [sflag:$0x1] =	stream.indirect_vreg.gather [hbm4b:s10+s1], $0x80, v0, vm0, $0xb8;
	[tilespmem:$0x1A610] =	vst v63  }
0x209: {  	s18 =	simm.s32 $0x8600  }
0x20a: {  	[tilespmem:s18], [sflag:$0x1] =	stream.indirect_vreg.gather [hbm4b:s11+s1], $0x80, v0, vm0, $0xb8;
	[tilespmem:$0x1A610] =	vst v63  }
0x20b: {  	s16 =	simm.s32 $0x8E00  }
0x20c: {  	[tilespmem:s16], [sflag:$0x1] =	stream.indirect_vreg.gather [hbm4b:s5+s1], $0x80, v0, vm0, $0xb8;
	[tilespmem:$0x1A610] =	vst v63  }
0x20d: {  	s17 =	simm.s32 $0x9600  }
0x20e: {  	[tilespmem:s17], [sflag:$0x1] =	stream.indirect_vreg.gather [hbm4b:s15+s1], $0x80, v0, vm0, $0xb8;
	[tilespmem:$0x1A610] =	vst v63  }
0x20f: {  	s17 =	rddreg [dreg:$0x1c]  }
0x210: {  	[hbm4b:s17+s1] =	stream.linear.scatter [tilespmem:s23], [sflag:$0x5], $0x8000, $0x38;
	[tilespmem:$0x1A610] =	vst v63  }
0x211: {  	s17 =	simm.s32 $0x3  }
0x212: {  	_ =	swait.ge [sflag:s17], $0x8000  }
0x213: {  	[sflag:s17] =	ssyncset.done $0x0  }
0x214: {  	s16 =	simm.s32 $0x5;
	[sflag:s17] =	ssyncadd.s32 $0xFFFF8000  }
0x215: {  	_ =	swait.ge [sflag:s16], $0x8000  }
0x216: {  	[sflag:s16] =	ssyncset.done $0x0  }
0x217: {  	s18 =	rddreg [dreg:$0x17];
	[sflag:s16] =	ssyncadd.s32 $0xFFFF8000  }
0x218: {  	v56 =	vld.msk [tilespmem:s18+$0x0], $0xff;
	_ =	sdelay $0x4  }
0x219: {  	v57 =	vshll.u32 v56, $0x5  }
0x21a: {  	v0 =	vand.u32 $0x7, v56;
	v1 =	vand.u32 $0xFFFFFF00, v57  }
0x21b: {  	v0 =	vor.u32 v0, v1  }
0x21c: {  	v0 =	vperm.xlane v0, v49;
	_ =	sdelay $0x1  }
0x21d: {  	v0 =	vadd.s32 v50, v0;
	_ =	sdelay $0x4  }
0x21e: {  	[tilespmem:s23], [sflag:$0x2] =	stream.indirect_vreg.gather [hbm4b:s28+s1], $0x80, v0, vm0, $0xb8;
	[tilespmem:$0x1A610] =	vst v63  }
0x21f: {  	s18 =	simm.s32 $0xA600  }
0x220: {  	[tilespmem:s18], [sflag:$0x2] =	stream.indirect_vreg.gather [hbm4b:s30+s1], $0x80, v0, vm0, $0xb8;
	[tilespmem:$0x1A610] =	vst v63  }
0x221: {  	s18 =	simm.s32 $0xAE00  }
0x222: {  	[tilespmem:s18], [sflag:$0x2] =	stream.indirect_vreg.gather [hbm4b:s31+s1], $0x80, v0, vm0, $0xb8;
	[tilespmem:$0x1A610] =	vst v63  }
0x223: {  	s18 =	simm.s32 $0xB600  }
0x224: {  	[tilespmem:s18], [sflag:$0x2] =	stream.indirect_vreg.gather [hbm4b:s13+s1], $0x80, v0, vm0, $0xb8;
	[tilespmem:$0x1A610] =	vst v63  }
0x225: {  	s18 =	simm.s32 $0xBE00  }
0x226: {  	[tilespmem:s18], [sflag:$0x2] =	stream.indirect_vreg.gather [hbm4b:s14+s1], $0x80, v0, vm0, $0xb8;
	[tilespmem:$0x1A610] =	vst v63  }
0x227: {  	s18 =	simm.s32 $0xC600  }
0x228: {  	[tilespmem:s18], [sflag:$0x2] =	stream.indirect_vreg.gather [hbm4b:s2+s1], $0x80, v0, vm0, $0xb8;
	[tilespmem:$0x1A610] =	vst v63  }
0x229: {  	s18 =	simm.s32 $0xCE00  }
0x22a: {  	[tilespmem:s18], [sflag:$0x2] =	stream.indirect_vreg.gather [hbm4b:s3+s1], $0x80, v0, vm0, $0xb8;
	[tilespmem:$0x1A610] =	vst v63  }
0x22b: {  	s18 =	simm.s32 $0xD600  }
0x22c: {  	[tilespmem:s18], [sflag:$0x2] =	stream.indirect_vreg.gather [hbm4b:s4+s1], $0x80, v0, vm0, $0xb8;
	[tilespmem:$0x1A610] =	vst v63  }
0x22d: {  	s18 =	simm.s32 $0xDE00  }
0x22e: {  	[tilespmem:s18], [sflag:$0x2] =	stream.indirect_vreg.gather [hbm4b:s6+s1], $0x80, v0, vm0, $0xb8;
	[tilespmem:$0x1A610] =	vst v63  }
0x22f: {  	s18 =	simm.s32 $0xE600  }
0x230: {  	[tilespmem:s18], [sflag:$0x2] =	stream.indirect_vreg.gather [hbm4b:s7+s1], $0x80, v0, vm0, $0xb8;
	[tilespmem:$0x1A610] =	vst v63  }
0x231: {  	s18 =	simm.s32 $0xEE00  }
0x232: {  	[tilespmem:s18], [sflag:$0x2] =	stream.indirect_vreg.gather [hbm4b:s8+s1], $0x80, v0, vm0, $0xb8;
	[tilespmem:$0x1A610] =	vst v63  }
0x233: {  	s18 =	simm.s32 $0xF600  }
0x234: {  	[tilespmem:s18], [sflag:$0x2] =	stream.indirect_vreg.gather [hbm4b:s9+s1], $0x80, v0, vm0, $0xb8;
	[tilespmem:$0x1A610] =	vst v63  }
0x235: {  	s18 =	simm.s32 $0xFE00  }
0x236: {  	[tilespmem:s18], [sflag:$0x2] =	stream.indirect_vreg.gather [hbm4b:s10+s1], $0x80, v0, vm0, $0xb8;
	[tilespmem:$0x1A610] =	vst v63  }
0x237: {  	s18 =	simm.s32 $0x10600  }
0x238: {  	[tilespmem:s18], [sflag:$0x2] =	stream.indirect_vreg.gather [hbm4b:s11+s1], $0x80, v0, vm0, $0xb8;
	[tilespmem:$0x1A610] =	vst v63  }
0x239: {  	s18 =	simm.s32 $0x10E00  }
0x23a: {  	[tilespmem:s18], [sflag:$0x2] =	stream.indirect_vreg.gather [hbm4b:s5+s1], $0x80, v0, vm0, $0xb8;
	[tilespmem:$0x1A610] =	vst v63  }
0x23b: {  	s18 =	simm.s32 $0x11600  }
0x23c: {  	[tilespmem:s18], [sflag:$0x2] =	stream.indirect_vreg.gather [hbm4b:s15+s1], $0x80, v0, vm0, $0xb8;
	[tilespmem:$0x1A610] =	vst v63  }
0x23d: {  	s18 =	rddreg [dreg:$0xb]  }
0x23e: {  	[hbm4b:s18+s1] =	stream.linear.scatter [tilespmem:s25], [sflag:$0x6], $0x8000, $0x38;
	[tilespmem:$0x1A610] =	vst v63  }
0x23f: {  	_ =	swait.ge [sflag:s22], $0x8000  }
0x240: {  	[sflag:s22] =	ssyncset.done $0x0  }
0x241: {  	s18 =	simm.s32 $0x6;
	[sflag:s22] =	ssyncadd.s32 $0xFFFF8000  }
0x242: {  	_ =	swait.ge [sflag:s18], $0x8000  }
0x243: {  	[sflag:s18] =	ssyncset.done $0x0  }
0x244: {  	s0 =	rddreg [dreg:$0x18];
	[sflag:s18] =	ssyncadd.s32 $0xFFFF8000  }
0x245: {  	v58 =	vld.msk [tilespmem:s0+$0x0], $0xff;
	_ =	sdelay $0x4  }
0x246: {  	v59 =	vshll.u32 v58, $0x5  }
0x247: {  	v0 =	vand.u32 $0x7, v58;
	v1 =	vand.u32 $0xFFFFFF00, v59  }
0x248: {  	v0 =	vor.u32 v0, v1  }
0x249: {  	v0 =	vperm.xlane v0, v49;
	_ =	sdelay $0x1  }
0x24a: {  	v0 =	vadd.s32 v50, v0;
	_ =	sdelay $0x4  }
0x24b: {  	[tilespmem:s25], [sflag:$0x3] =	stream.indirect_vreg.gather [hbm4b:s28+s1], $0x80, v0, vm0, $0xb8;
	[tilespmem:$0x1A610] =	vst v63  }
0x24c: {  	_ = 	snop  }
0x24d: {  	[tilespmem:s12], [sflag:$0x3] =	stream.indirect_vreg.gather [hbm4b:s30+s1], $0x80, v0, vm0, $0xb8;
	[tilespmem:$0x1A610] =	vst v63  }
0x24e: {  	s12 =	simm.s32 $0x12E00  }
0x24f: {  	[tilespmem:s12], [sflag:$0x3] =	stream.indirect_vreg.gather [hbm4b:s31+s1], $0x80, v0, vm0, $0xb8;
	[tilespmem:$0x1A610] =	vst v63  }
0x250: {  	s12 =	simm.s32 $0x13600  }
0x251: {  	[tilespmem:s12], [sflag:$0x3] =	stream.indirect_vreg.gather [hbm4b:s13+s1], $0x80, v0, vm0, $0xb8;
	[tilespmem:$0x1A610] =	vst v63  }
0x252: {  	s12 =	simm.s32 $0x13E00  }
0x253: {  	[tilespmem:s12], [sflag:$0x3] =	stream.indirect_vreg.gather [hbm4b:s14+s1], $0x80, v0, vm0, $0xb8;
	[tilespmem:$0x1A610] =	vst v63  }
0x254: {  	s12 =	simm.s32 $0x14600  }
0x255: {  	[tilespmem:s12], [sflag:$0x3] =	stream.indirect_vreg.gather [hbm4b:s2+s1], $0x80, v0, vm0, $0xb8;
	[tilespmem:$0x1A610] =	vst v63  }
0x256: {  	s12 =	simm.s32 $0x14E00  }
0x257: {  	[tilespmem:s12], [sflag:$0x3] =	stream.indirect_vreg.gather [hbm4b:s3+s1], $0x80, v0, vm0, $0xb8;
	[tilespmem:$0x1A610] =	vst v63  }
0x258: {  	_ = 	snop  }
0x259: {  	[tilespmem:s26], [sflag:$0x3] =	stream.indirect_vreg.gather [hbm4b:s4+s1], $0x80, v0, vm0, $0xb8;
	[tilespmem:$0x1A610] =	vst v63  }
0x25a: {  	_ = 	snop  }
0x25b: {  	[tilespmem:s29], [sflag:$0x3] =	stream.indirect_vreg.gather [hbm4b:s6+s1], $0x80, v0, vm0, $0xb8;
	[tilespmem:$0x1A610] =	vst v63  }
0x25c: {  	s12 =	simm.s32 $0x16600  }
0x25d: {  	[tilespmem:s12], [sflag:$0x3] =	stream.indirect_vreg.gather [hbm4b:s7+s1], $0x80, v0, vm0, $0xb8;
	[tilespmem:$0x1A610] =	vst v63  }
0x25e: {  	s12 =	simm.s32 $0x16E00  }
0x25f: {  	[tilespmem:s12], [sflag:$0x3] =	stream.indirect_vreg.gather [hbm4b:s8+s1], $0x80, v0, vm0, $0xb8;
	[tilespmem:$0x1A610] =	vst v63  }
0x260: {  	s12 =	simm.s32 $0x17600  }
0x261: {  	[tilespmem:s12], [sflag:$0x3] =	stream.indirect_vreg.gather [hbm4b:s9+s1], $0x80, v0, vm0, $0xb8;
	[tilespmem:$0x1A610] =	vst v63  }
0x262: {  	s12 =	simm.s32 $0x17E00  }
0x263: {  	[tilespmem:s12], [sflag:$0x3] =	stream.indirect_vreg.gather [hbm4b:s10+s1], $0x80, v0, vm0, $0xb8;
	[tilespmem:$0x1A610] =	vst v63  }
0x264: {  	s12 =	simm.s32 $0x18600  }
0x265: {  	[tilespmem:s12], [sflag:$0x3] =	stream.indirect_vreg.gather [hbm4b:s11+s1], $0x80, v0, vm0, $0xb8;
	[tilespmem:$0x1A610] =	vst v63  }
0x266: {  	s12 =	simm.s32 $0x18E00  }
0x267: {  	[tilespmem:s12], [sflag:$0x3] =	stream.indirect_vreg.gather [hbm4b:s5+s1], $0x80, v0, vm0, $0xb8;
	[tilespmem:$0x1A610] =	vst v63  }
0x268: {  	s12 =	simm.s32 $0x19600  }
0x269: {  	[tilespmem:s12], [sflag:$0x3] =	stream.indirect_vreg.gather [hbm4b:s15+s1], $0x80, v0, vm0, $0xb8;
	[tilespmem:$0x1A610] =	vst v63  }
0x26a: {  	s12 =	rddreg [dreg:$0xc]  }
0x26b: {  	[hbm4b:s12+s1] =	stream.linear.scatter [tilespmem:s24], [sflag:$0x4], $0x8000, $0x38;
	[tilespmem:$0x1A610] =	vst v63  }
0x26c: {  	_ =	swait.ge [sflag:s19], $0x8000  }
0x26d: {  	[sflag:s19] =	ssyncset.done $0x0  }
0x26e: {  	[sflag:s19] =	ssyncadd.s32 $0xFFFF8000  }
0x26f: {  	_ =	swait.ge [sflag:s21], $0x8000  }
0x270: {  	[sflag:s21] =	ssyncset.done $0x0  }
0x271: {  	s12 =	rddreg [dreg:$0x19];
	[sflag:s21] =	ssyncadd.s32 $0xFFFF8000  }
0x272: {  	v60 =	vld.msk [tilespmem:s12+$0x0], $0xff;
	_ =	sdelay $0x4  }
0x273: {  	v61 =	vshll.u32 v60, $0x5  }
0x274: {  	v0 =	vand.u32 $0x7, v60;
	v1 =	vand.u32 $0xFFFFFF00, v61  }
0x275: {  	v0 =	vor.u32 v0, v1  }
0x276: {  	v0 =	vperm.xlane v0, v49;
	_ =	sdelay $0x1  }
0x277: {  	v0 =	vadd.s32 v50, v0;
	_ =	sdelay $0x4  }
0x278: {  	[tilespmem:s24], [sflag:$0x1] =	stream.indirect_vreg.gather [hbm4b:s28+s1], $0x80, v0, vm0, $0xb8;
	[tilespmem:$0x1A610] =	vst v63  }
0x279: {  	s12 =	simm.s32 $0x2600  }
0x27a: {  	[tilespmem:s12], [sflag:$0x1] =	stream.indirect_vreg.gather [hbm4b:s30+s1], $0x80, v0, vm0, $0xb8;
	[tilespmem:$0x1A610] =	vst v63  }
0x27b: {  	s12 =	simm.s32 $0x2E00  }
0x27c: {  	[tilespmem:s12], [sflag:$0x1] =	stream.indirect_vreg.gather [hbm4b:s31+s1], $0x80, v0, vm0, $0xb8;
	[tilespmem:$0x1A610] =	vst v63  }
0x27d: {  	s12 =	simm.s32 $0x3600  }
0x27e: {  	[tilespmem:s12], [sflag:$0x1] =	stream.indirect_vreg.gather [hbm4b:s13+s1], $0x80, v0, vm0, $0xb8;
	[tilespmem:$0x1A610] =	vst v63  }
0x27f: {  	s12 =	simm.s32 $0x3E00  }
0x280: {  	[tilespmem:s12], [sflag:$0x1] =	stream.indirect_vreg.gather [hbm4b:s14+s1], $0x80, v0, vm0, $0xb8;
	[tilespmem:$0x1A610] =	vst v63  }
0x281: {  	s12 =	simm.s32 $0x4600  }
0x282: {  	[tilespmem:s12], [sflag:$0x1] =	stream.indirect_vreg.gather [hbm4b:s2+s1], $0x80, v0, vm0, $0xb8;
	[tilespmem:$0x1A610] =	vst v63  }
0x283: {  	s0 =	simm.s32 $0x4E00  }
0x284: {  	[tilespmem:s0], [sflag:$0x1] =	stream.indirect_vreg.gather [hbm4b:s3+s1], $0x80, v0, vm0, $0xb8;
	[tilespmem:$0x1A610] =	vst v63  }
0x285: {  	s0 =	simm.s32 $0x5600  }
0x286: {  	[tilespmem:s0], [sflag:$0x1] =	stream.indirect_vreg.gather [hbm4b:s4+s1], $0x80, v0, vm0, $0xb8;
	[tilespmem:$0x1A610] =	vst v63  }
0x287: {  	s0 =	simm.s32 $0x5E00  }
0x288: {  	[tilespmem:s0], [sflag:$0x1] =	stream.indirect_vreg.gather [hbm4b:s6+s1], $0x80, v0, vm0, $0xb8;
	[tilespmem:$0x1A610] =	vst v63  }
0x289: {  	s0 =	simm.s32 $0x6600  }
0x28a: {  	[tilespmem:s0], [sflag:$0x1] =	stream.indirect_vreg.gather [hbm4b:s7+s1], $0x80, v0, vm0, $0xb8;
	[tilespmem:$0x1A610] =	vst v63  }
0x28b: {  	s0 =	simm.s32 $0x6E00  }
0x28c: {  	[tilespmem:s0], [sflag:$0x1] =	stream.indirect_vreg.gather [hbm4b:s8+s1], $0x80, v0, vm0, $0xb8;
	[tilespmem:$0x1A610] =	vst v63  }
0x28d: {  	s0 =	simm.s32 $0x7600  }
0x28e: {  	[tilespmem:s0], [sflag:$0x1] =	stream.indirect_vreg.gather [hbm4b:s9+s1], $0x80, v0, vm0, $0xb8;
	[tilespmem:$0x1A610] =	vst v63  }
0x28f: {  	s0 =	simm.s32 $0x7E00  }
0x290: {  	[tilespmem:s0], [sflag:$0x1] =	stream.indirect_vreg.gather [hbm4b:s10+s1], $0x80, v0, vm0, $0xb8;
	[tilespmem:$0x1A610] =	vst v63  }
0x291: {  	s0 =	simm.s32 $0x8600  }
0x292: {  	[tilespmem:s0], [sflag:$0x1] =	stream.indirect_vreg.gather [hbm4b:s11+s1], $0x80, v0, vm0, $0xb8;
	[tilespmem:$0x1A610] =	vst v63  }
0x293: {  	s0 =	simm.s32 $0x8E00  }
0x294: {  	[tilespmem:s0], [sflag:$0x1] =	stream.indirect_vreg.gather [hbm4b:s5+s1], $0x80, v0, vm0, $0xb8;
	[tilespmem:$0x1A610] =	vst v63  }
0x295: {  	s0 =	simm.s32 $0x9600  }
0x296: {  	[tilespmem:s0], [sflag:$0x1] =	stream.indirect_vreg.gather [hbm4b:s15+s1], $0x80, v0, vm0, $0xb8;
	[tilespmem:$0x1A610] =	vst v63  }
0x297: {  	s0 =	rddreg [dreg:$0xd]  }
0x298: {  	[hbm4b:s0+s1] =	stream.linear.scatter [tilespmem:s23], [sflag:$0x5], $0x8000, $0x38;
	[tilespmem:$0x1A610] =	vst v63  }
0x299: {  	_ =	swait.ge [sflag:s17], $0x8000  }
0x29a: {  	[sflag:s17] =	ssyncset.done $0x0  }
0x29b: {  	[sflag:s17] =	ssyncadd.s32 $0xFFFF8000  }
0x29c: {  	_ =	swait.ge [sflag:s16], $0x8000  }
0x29d: {  	[sflag:s16] =	ssyncset.done $0x0  }
0x29e: {  	s17 =	rddreg [dreg:$0x1a];
	[sflag:s16] =	ssyncadd.s32 $0xFFFF8000  }
0x29f: {  	v62 =	vld.msk [tilespmem:s17+$0x0], $0xff;
	_ =	sdelay $0x4  }
0x2a0: {  	v63 =	vshll.u32 v62, $0x5  }
0x2a1: {  	v0 =	vand.u32 $0x7, v62;
	v1 =	vand.u32 $0xFFFFFF00, v63  }
0x2a2: {  	v0 =	vor.u32 v0, v1  }
0x2a3: {  	v0 =	vperm.xlane v0, v49;
	_ =	sdelay $0x1  }
0x2a4: {  	v0 =	vadd.s32 v50, v0;
	_ =	sdelay $0x4  }
0x2a5: {  	[tilespmem:s23], [sflag:$0x2] =	stream.indirect_vreg.gather [hbm4b:s28+s1], $0x80, v0, vm0, $0xb8;
	[tilespmem:$0x1A610] =	vst v63  }
0x2a6: {  	s28 =	simm.s32 $0xA600  }
0x2a7: {  	[tilespmem:s28], [sflag:$0x2] =	stream.indirect_vreg.gather [hbm4b:s30+s1], $0x80, v0, vm0, $0xb8;
	[tilespmem:$0x1A610] =	vst v63  }
0x2a8: {  	s17 =	simm.s32 $0xAE00  }
0x2a9: {  	[tilespmem:s17], [sflag:$0x2] =	stream.indirect_vreg.gather [hbm4b:s31+s1], $0x80, v0, vm0, $0xb8;
	[tilespmem:$0x1A610] =	vst v63  }
0x2aa: {  	s28 =	simm.s32 $0xB600  }
0x2ab: {  	[tilespmem:s28], [sflag:$0x2] =	stream.indirect_vreg.gather [hbm4b:s13+s1], $0x80, v0, vm0, $0xb8;
	[tilespmem:$0x1A610] =	vst v63  }
0x2ac: {  	s30 =	simm.s32 $0xBE00  }
0x2ad: {  	[tilespmem:s30], [sflag:$0x2] =	stream.indirect_vreg.gather [hbm4b:s14+s1], $0x80, v0, vm0, $0xb8;
	[tilespmem:$0x1A610] =	vst v63  }
0x2ae: {  	s31 =	simm.s32 $0xC600  }
0x2af: {  	[tilespmem:s31], [sflag:$0x2] =	stream.indirect_vreg.gather [hbm4b:s2+s1], $0x80, v0, vm0, $0xb8;
	[tilespmem:$0x1A610] =	vst v63  }
0x2b0: {  	s2 =	simm.s32 $0xCE00  }
0x2b1: {  	[tilespmem:s2], [sflag:$0x2] =	stream.indirect_vreg.gather [hbm4b:s3+s1], $0x80, v0, vm0, $0xb8;
	[tilespmem:$0x1A610] =	vst v63  }
0x2b2: {  	s3 =	simm.s32 $0xD600  }
0x2b3: {  	[tilespmem:s3], [sflag:$0x2] =	stream.indirect_vreg.gather [hbm4b:s4+s1], $0x80, v0, vm0, $0xb8;
	[tilespmem:$0x1A610] =	vst v63  }
0x2b4: {  	s4 =	simm.s32 $0xDE00  }
0x2b5: {  	[tilespmem:s4], [sflag:$0x2] =	stream.indirect_vreg.gather [hbm4b:s6+s1], $0x80, v0, vm0, $0xb8;
	[tilespmem:$0x1A610] =	vst v63  }
0x2b6: {  	s6 =	simm.s32 $0xE600  }
0x2b7: {  	[tilespmem:s6], [sflag:$0x2] =	stream.indirect_vreg.gather [hbm4b:s7+s1], $0x80, v0, vm0, $0xb8;
	[tilespmem:$0x1A610] =	vst v63  }
0x2b8: {  	s7 =	simm.s32 $0xEE00  }
0x2b9: {  	[tilespmem:s7], [sflag:$0x2] =	stream.indirect_vreg.gather [hbm4b:s8+s1], $0x80, v0, vm0, $0xb8;
	[tilespmem:$0x1A610] =	vst v63  }
0x2ba: {  	s8 =	simm.s32 $0xF600  }
0x2bb: {  	[tilespmem:s8], [sflag:$0x2] =	stream.indirect_vreg.gather [hbm4b:s9+s1], $0x80, v0, vm0, $0xb8;
	[tilespmem:$0x1A610] =	vst v63  }
0x2bc: {  	s9 =	simm.s32 $0xFE00  }
0x2bd: {  	[tilespmem:s9], [sflag:$0x2] =	stream.indirect_vreg.gather [hbm4b:s10+s1], $0x80, v0, vm0, $0xb8;
	[tilespmem:$0x1A610] =	vst v63  }
0x2be: {  	s10 =	simm.s32 $0x10600  }
0x2bf: {  	[tilespmem:s10], [sflag:$0x2] =	stream.indirect_vreg.gather [hbm4b:s11+s1], $0x80, v0, vm0, $0xb8;
	[tilespmem:$0x1A610] =	vst v63  }
0x2c0: {  	s13 =	simm.s32 $0x10E00  }
0x2c1: {  	[tilespmem:s13], [sflag:$0x2] =	stream.indirect_vreg.gather [hbm4b:s5+s1], $0x80, v0, vm0, $0xb8;
	[tilespmem:$0x1A610] =	vst v63  }
0x2c2: {  	s14 =	simm.s32 $0x11600  }
0x2c3: {  	[tilespmem:s14], [sflag:$0x2] =	stream.indirect_vreg.gather [hbm4b:s15+s1], $0x80, v0, vm0, $0xb8;
	[tilespmem:$0x1A610] =	vst v63  }
0x2c4: {  	s17 =	rddreg [dreg:$0xe]  }
0x2c5: {  	[hbm4b:s17+s1] =	stream.linear.scatter [tilespmem:s25], [sflag:$0x6], $0x8000, $0x38;
	[tilespmem:$0x1A610] =	vst v63  }
0x2c6: {  	_ =	swait.ge [sflag:s22], $0x8000  }
0x2c7: {  	[sflag:s22] =	ssyncset.done $0x0  }
0x2c8: {  	s25 =	rddreg [dreg:$0xf];
	[sflag:s22] =	ssyncadd.s32 $0xFFFF8000  }
0x2c9: {  	[hbm4b:s25+s1] =	stream.linear.scatter [tilespmem:s24], [sflag:$0x4], $0x8000, $0x38;
	[tilespmem:$0x1A610] =	vst v63  }
0x2ca: {  	_ =	swait.ge [sflag:s19], $0x8000  }
0x2cb: {  	[sflag:s19] =	ssyncset.done $0x0  }
0x2cc: {  	s28 =	rddreg [dreg:$0x10];
	[sflag:s19] =	ssyncadd.s32 $0xFFFF8000  }
0x2cd: {  	[hbm4b:s28+s1] =	stream.linear.scatter [tilespmem:s23], [sflag:$0x5], $0x8000, $0x38;
	[tilespmem:$0x1A610] =	vst v63  }
0x2ce: {  	_ =	swait.ge [sflag:s18], $0x8000  }
0x2cf: {  	[sflag:s18] =	ssyncset.done $0x0  }
0x2d0: {  	[sflag:s18] =	ssyncadd.s32 $0xFFFF8000  }
0x2d1: {  	_ =	swait.ge [sflag:s21], $0x8000  }
0x2d2: {  	[sflag:s21] =	ssyncset.done $0x0  }
0x2d3: {  	[sflag:s21] =	ssyncadd.s32 $0xFFFF8000  }
0x2d4: {  	_ =	swait.ge [sflag:s16], $0x8000  }
0x2d5: {  	s30 =	sld [smem:$0x7EF];
	_ =	sdelay $0x2  }
0x2d6: {  	s31 =	rddreg [dreg:$0x1b];
	s2 =	sadd.s32 $0x1, s30  }
0x2d7: {  	p1 =	sne.s32 s2, s31  }
.Ltmp6:
0x2d8: {  	_ = 	snop;
	(pc) =	sbr.rel @p1 .LBB2_1-.Ltmp6, $4  }
.Ltmp7:
0x2d9: {  	_ = 	snop;
	(pc) =	sbr.rel @!p1 .LBB2_11-.Ltmp7, $4  }
0x2da: {  	_ = 	snop  }
0x2db: {  	[sflag:s16] =	ssyncset.done $0x0  }
0x2dc: {  	s12 =	simm.s32 $0x7;
	[sflag:s16] =	ssyncadd.s32 $0xFFFF8000;
	s16 =	sld [smem:$0x7FD]  }
0x2dd: {  	_ = 	snop  }
.LBB2_6:
.Ltmp8:
0x2de: {  	(pc) =	sbr.rel .LBB2_10-.Ltmp8, $2  }
0x2df: {  	_ =	sdelay $0x2  }
0x2e0: {  	s0 =	smov.u32 s22;
	s15 =	rddreg [dreg:$0x6]  }
.LBB2_8:
.Ltmp9:
0x2e1: {  	(pc) =	sbr.rel .LBB2_10-.Ltmp9, $2  }
0x2e2: {  	_ =	sdelay $0x2  }
0x2e3: {  	s0 =	smov.u32 s22;
	s15 =	rddreg [dreg:$0x6]  }
.LBB2_11:
0x2e4: {  	_ =	sfence.sel $0x180000  }
0x2e5: {  	[bflag:$0x0] =	sbarrier.arrive $0xFFFF  }
0x2e6: {  	_ =	strace $0x90000047  }
0x2e7: {  	[bflag:$0x2] =	sbarrier.arrive $0xFFFF  }
0x2e8: {  	s0 =	rddreg [dreg:$0x5]  }
0x2e9: {  	s0 =	sadd.s32 @!p0 $0x100000, s0  }
0x2ea: {  	[sflag:s0] =	ssyncadd.tile.s32 @!p0 $0x1;
	_ =	shalt  }
.Lfunc_end2:
_tile_overlayer_lowered:
.L_overlay_start_2:
0x2eb: {  	(tag) =	ssettag $0x2  }
0x2ec: {  	s0 =	rddreg [dreg:$0x0];
	s2 =	stileid.u32  }
0x2ed: {  	s1 =	rddreg [dreg:$0x1];
	p0 =	sne.s32 s2, $0x0  }
0x2ee: {  	s3 =	rddreg [dreg:$0x2];
	[bflag:$0x3] =	sbarrier.arrive $0xFFFF;
	s2 =	simm.s32 @!p0 $0x1C07  }
0x2ef: {  	[timem:s3], [sflag:s2] =	dma.local @!p0 [hbm:s0], s1  }
0x2f0: {  	s0 =	simm.s32 @!p0 $0x7  }
0x2f1: {  	_ =	swait.ge @!p0 [sflag:s0], s1  }
0x2f2: {  	s1 =	ssub.s32 @!p0 $0x0, s1;
	[sflag:s0] =	ssyncset.done @!p0 $0x0  }
0x2f3: {  	[sflag:s0] =	ssyncadd.s32 @!p0 s1  }
0x2f4: {  	[bflag:$0x3] =	sbarrier.arrive $0xFFFF  }
0x2f5: {  	_ =	shalt  }

</sc_bundles>
